<compile_context>
chip_gen: v7x
topology: tpu7x:2x2x1
jax: 0.10.2.dev20260603
libtpu: 0.0.44.dev20260713+nightly
codegen_flags: <defaults>
</compile_context>

<pallas_src>
import dataclasses
import functools

import jax
import jax.numpy as jnp
from jax import lax
from jax.experimental import pallas as pl
from jax.experimental.pallas import tpu as pltpu
from jax.experimental.pallas import tpu_sc as plsc

N_SEG = 65536
N_EV = 2097152
L = 16
NC, NS = 2, 16
NW = NC * NS
PER_W = N_EV // NW
K = 128
NCH = PER_W // K
NV = K // L
XPAD = 65544


def _vfull(v, dtype=jnp.int32):
    return jnp.full((L,), v, dtype)


@jax.jit
def _sc_bezier(x_eval, xpad, table):
    mesh = plsc.VectorSubcoreMesh(core_axis_name="c", subcore_axis_name="s")
    cparams = pltpu.CompilerParams()
    if "needs_layout_passes" in pltpu.CompilerParams.__dataclass_fields__:
        cparams = dataclasses.replace(cparams, needs_layout_passes=False)
    if "use_tc_tiling_on_sc" in pltpu.CompilerParams.__dataclass_fields__:
        cparams = dataclasses.replace(cparams, use_tc_tiling_on_sc=False)

    @functools.partial(
        pl.kernel,
        compiler_params=cparams,
        out_type=(
            jax.ShapeDtypeStruct((N_EV, 3), jnp.float32),
            jax.ShapeDtypeStruct((N_EV,), jnp.int32),
        ),
        mesh=mesh,
        scratch_types=[
            pltpu.VMEM((XPAD,), jnp.float32),
            pltpu.VMEM((K,), jnp.float32),
            pltpu.VMEM((K,), jnp.float32),
            pltpu.VMEM((K,), jnp.int32),
            pltpu.VMEM((K, 16), jnp.float32),
            pltpu.VMEM((K, 3), jnp.float32),
            pltpu.SemaphoreType.DMA,
        ],
    )
    def kern(xev_hbm, x_hbm, tab_hbm, out_hbm, idx_hbm,
             xtab, tin, sbuf, idxv, rows, evout, sem):
        wid = lax.axis_index("s") * NC + lax.axis_index("c")
        pltpu.async_copy(x_hbm, xtab, sem).wait()
        iota = lax.iota(jnp.int32, L)
        spanv = plsc.load_gather(xtab, [_vfull(N_SEG)])
        capv = _vfull(N_SEG - 1)

        @pl.loop(0, NCH)
        def _(c):
            base = wid * PER_W + c * K
            pltpu.async_copy(xev_hbm.at[pl.ds(base, K)], tin, sem).wait()

            @plsc.parallel_loop(0, NV, unroll=4)
            def _(v):
                t = lax.rem(tin[pl.ds(v * L, L)], spanv)
                lo = _vfull(0)
                for p in (32768, 16384, 8192, 4096, 2048, 1024, 512, 256,
                          128, 64, 32, 16, 8, 4, 2, 1):
                    cand = lax.min(lo + p, capv)
                    xv = plsc.load_gather(xtab, [cand])
                    lo = lax.select(xv <= t, cand, lo)
                xs = plsc.load_gather(xtab, [lo])
                xe = plsc.load_gather(xtab, [lo + 1])
                idxv[pl.ds(v * L, L)] = lo
                sbuf[pl.ds(v * L, L)] = (t - xs) / (xe - xs)

            pltpu.async_copy(tab_hbm.at[idxv], rows, sem).wait()

            @plsc.parallel_loop(0, NV, unroll=2)
            def _(v):
                s = sbuf[pl.ds(v * L, L)]
                om = 1.0 - s
                s2 = s * s
                om2 = om * om
                b0 = om2 * om
                b1 = (3.0 * s) * om2
                b2 = (3.0 * s2) * om
                b3 = s2 * s
                rid = jnp.full((L,), v * L, jnp.int32) + iota
                for d in range(3):
                    p0 = plsc.load_gather(rows, [rid, _vfull(d)])
                    p1 = plsc.load_gather(rows, [rid, _vfull(3 + d)])
                    p2 = plsc.load_gather(rows, [rid, _vfull(6 + d)])
                    p3 = plsc.load_gather(rows, [rid, _vfull(9 + d)])
                    acc = ((b0 * p0 + b1 * p1) + b2 * p2) + b3 * p3
                    plsc.store_scatter(evout, [rid, _vfull(d)], acc)

            pltpu.async_copy(evout, out_hbm.at[pl.ds(base, K)], sem).wait()
            pltpu.async_copy(idxv, idx_hbm.at[pl.ds(base, K)], sem).wait()

    return kern(x_eval, xpad, table)


def kernel(x_eval, x, control_points):
    xpad = jnp.concatenate(
        [x, jnp.full((XPAD - (N_SEG + 1),), x[-1], x.dtype)])
    table = jnp.concatenate(
        [control_points.reshape(N_SEG, 12),
         jnp.zeros((N_SEG, 4), jnp.float32)], axis=1)
    ev, idx = _sc_bezier(x_eval.reshape(-1), xpad, table)
    return ev.reshape(tuple(x_eval.shape) + (3,)), idx.reshape(x_eval.shape)

# --- scband reference (transcript-rebuilt; emitter-appended) ---
"""Pipeline reference for scband-composite-bezier-curve-25709674234606 (READ-ONLY COPY).

The authoritative reference and input builder live on the scoring server;
editing this copy changes nothing except your own understanding.
"""

import jax, jax.numpy as jnp
import numpy as np
import math

N_SEG = 65536
BEZ_ORDER = 3
D = 3
N_EVAL = 2097152


def setup_inputs(seed: int = 0) -> dict:
    key = jax.random.key(seed)
    k1, k2, k3 = jax.random.split(key, 3)
    # strictly positive dx so knots are ascending, matching the torch __init__ check
    dx = jax.random.uniform(k1, (N_SEG,), dtype=jnp.float32, minval=0.5, maxval=1.5)
    x = jnp.concatenate([jnp.zeros((1,), dtype=jnp.float32), jnp.cumsum(dx)])
    control_points = jax.random.normal(k2, (N_SEG, BEZ_ORDER + 1, D), dtype=jnp.float32)
    # eval points uniformly covering the full knot span (forward applies modulo anyway)
    x_eval = jax.random.uniform(k3, (N_EVAL,), dtype=jnp.float32) * x[-1]
    return {"x_eval": x_eval, "x": x, "control_points": control_points}


def _all_powers(t, n):
    # returns [..., n+1] with t**0 .. t**n, built by repeated multiply (grad-safe at t=0)
    outs = [jnp.ones_like(t)]
    for _ in range(n):
        outs.append(outs[-1] * t)
    return jnp.stack(outs, axis=-1)


def _composite_bezier_eval(x, control_points, x_eval_flat):
    # faithful port of compositeBezierEval: bucketize into segments, local param s,
    # Bernstein-basis evaluation of the per-segment Bezier curve
    xstart = x[:-1]
    dxv = x[1:] - x[:-1]
    n = control_points.shape[-2] - 1  # bezier order (static)
    idx = jnp.searchsorted(xstart, x_eval_flat, side='right') - 1
    idx = jnp.clip(idx, 0, xstart.shape[0] - 1)
    s = (x_eval_flat - xstart[idx]) / dxv[idx]
    binom = jnp.asarray([math.comb(n, i) for i in range(n + 1)], dtype=x_eval_flat.dtype)
    sp = _all_powers(s, n)                  # [N, n+1]: s^i
    omsp = _all_powers(1.0 - s, n)[:, ::-1]  # [N, n+1]: (1-s)^(n-i)
    basis = binom[None, :] * sp * omsp      # Bernstein basis [N, n+1]
    pts = control_points[idx]               # gather [N, n+1, d]
    evalout = jnp.einsum('nk,nkd->nd', basis, pts)
    return evalout, idx


def reference(x_eval, x, control_points):
    # forward of CompositeBezierCurve.forward
    xend_last = x[-1]
    x_true = jnp.mod(x_eval, xend_last).reshape(-1)
    evalout, idxmin = _composite_bezier_eval(x, control_points, x_true)
    d = control_points.shape[-1]
    evalrtn = evalout.reshape(tuple(x_eval.shape) + (d,))
    return (evalrtn, idxmin.reshape(x_eval.shape))

if __name__ == "__main__":
    import jax
    _d = setup_inputs()
    print(jax.jit(kernel)(*tuple(_d.values())))

</pallas_src>

<mosaic_0001>
#map = affine_map<(d0, d1) -> (0)>
#map1 = affine_map<(d0, d1) -> (0, 0)>
module attributes {stable_mosaic.version = 14 : i64} {
  func.func @kern(%arg0: i32, %arg1: i32, %arg2: memref<2097152xf32, #tpu.memory_space<hbm>>, %arg3: memref<65544xf32, #tpu.memory_space<hbm>>, %arg4: memref<65536x16xf32, #tpu.memory_space<hbm>>, %arg5: memref<2097152x3xf32, #tpu.memory_space<hbm>>, %arg6: memref<2097152xi32, #tpu.memory_space<hbm>>, %arg7: memref<65544xf32, #tpu.memory_space<vmem>>, %arg8: memref<128xf32, #tpu.memory_space<vmem>>, %arg9: memref<128xf32, #tpu.memory_space<vmem>>, %arg10: memref<128xi32, #tpu.memory_space<vmem>>, %arg11: memref<128x16xf32, #tpu.memory_space<vmem>>, %arg12: memref<128x3xf32, #tpu.memory_space<vmem>>, %arg13: memref<!tpu.dma_semaphore, #tpu.memory_space<semaphore_mem>>) attributes {dimension_semantics = [#tpu.dimension_semantics<core_parallel>, #tpu.dimension_semantics<subcore_parallel>], iteration_bounds = array<i64: 2, 16>, scalar_prefetch = 0 : i64, scratch_operands = 7 : i64, tpu.core_type = #tpu.core_type<sc_vector_subcore>, window_params = [{transform_indices = #map}, {transform_indices = #map}, {transform_indices = #map1}, {transform_indices = #map1}, {transform_indices = #map}]} {
    %mul3A = arith.constant 2 : i32
    %mul3A_0 = arith.muli %arg1, %mul3A : i32
    %add3A = arith.addi %mul3A_0, %arg0 : i32
    tpu.enqueue_dma source(%arg3 : memref<65544xf32, #tpu.memory_space<hbm>>) target(%arg7 : memref<65544xf32, #tpu.memory_space<vmem>>) target_semaphore(%arg13 : memref<!tpu.dma_semaphore, #tpu.memory_space<semaphore_mem>>)
    tpu.wait_dma2 semaphore(%arg13 : memref<!tpu.dma_semaphore, #tpu.memory_space<semaphore_mem>>) src(%arg3 : memref<65544xf32, #tpu.memory_space<hbm>>) dst(%arg7 : memref<65544xf32, #tpu.memory_space<vmem>>)
    %iota3A = tpu.iota {dimensions = array<i32: 0>} : vector<16xi32>
    %broadcast_in_dim3A = arith.constant 65536 : i32
    %broadcast_in_dim3A_1 = vector.broadcast %broadcast_in_dim3A : i32 to vector<16xi32>
    %gather3A = tpu.vector_load_idx %arg7[%broadcast_in_dim3A_1] : memref<65544xf32, #tpu.memory_space<vmem>>[vector<16xi32>], vector<16xf32>,
    %broadcast_in_dim3A_2 = arith.constant 65535 : i32
    %broadcast_in_dim3A_3 = vector.broadcast %broadcast_in_dim3A_2 : i32 to vector<16xi32>
    %scan3A = arith.constant 0 : i32
    %scan3A_4 = arith.constant 512 : i32
    %scan3A_5 = arith.addi %scan3A, %scan3A_4 : i32
    %scan3A_6 = arith.constant 1 : i32
    scf.for %scan3A_8 = %scan3A to %scan3A_5 step %scan3A_6  : i32 {
      %mul3A_9 = arith.constant 1 : i32
      %mul3A_10 = arith.muli %scan3A_8, %mul3A_9 : i32
      %add3A_11 = arith.constant 0 : i32
      %add3A_12 = arith.addi %add3A_11, %mul3A_10 : i32
      %mul3A_13 = arith.constant 65536 : i32
      %mul3A_14 = arith.muli %add3A, %mul3A_13 : i32
      %mul3A_15 = arith.constant 128 : i32
      %mul3A_16 = arith.muli %add3A_12, %mul3A_15 : i32
      %add3A_17 = arith.addi %mul3A_14, %mul3A_16 : i32
      %dma_start3A = tpu.memref_slice %arg2[%add3A_17] : memref<2097152xf32, #tpu.memory_space<hbm>> -> memref<128xf32, #tpu.memory_space<hbm>>
      %dma_start3A_18 = tpu.memref_slice %arg2[%add3A_17] : memref<2097152xf32, #tpu.memory_space<hbm>> -> memref<128xf32, #tpu.memory_space<hbm>>
      tpu.enqueue_dma source(%dma_start3A_18 : memref<128xf32, #tpu.memory_space<hbm>>) target(%arg8 : memref<128xf32, #tpu.memory_space<vmem>>) target_semaphore(%arg13 : memref<!tpu.dma_semaphore, #tpu.memory_space<semaphore_mem>>)
      %dma_wait3A = tpu.memref_slice %arg2[%add3A_17] : memref<2097152xf32, #tpu.memory_space<hbm>> -> memref<128xf32, #tpu.memory_space<hbm>>
      %dma_wait3A_19 = tpu.memref_slice %arg2[%add3A_17] : memref<2097152xf32, #tpu.memory_space<hbm>> -> memref<128xf32, #tpu.memory_space<hbm>>
      tpu.wait_dma2 semaphore(%arg13 : memref<!tpu.dma_semaphore, #tpu.memory_space<semaphore_mem>>) src(%dma_wait3A_19 : memref<128xf32, #tpu.memory_space<hbm>>) dst(%arg8 : memref<128xf32, #tpu.memory_space<vmem>>)
      %parallel_loop3A = arith.constant 0 : i32
      %parallel_loop3A_20 = arith.constant 8 : i32
      %parallel_loop3A_21 = arith.constant 1 : i32
      scf.for %parallel_loop3A_43 = %parallel_loop3A to %parallel_loop3A_20 step %parallel_loop3A_21  : i32 {
        %parallel_loop3A_44 = arith.constant 16 : i32
        %parallel_loop3A_45 = arith.muli %parallel_loop3A_43, %parallel_loop3A_44 : i32
        %parallel_loop3A_46 = arith.index_cast %parallel_loop3A_45 : i32 to index
        %parallel_loop3A_47 = tpu.vector_load %arg8[%parallel_loop3A_46] {strides = array<i32>} : memref<128xf32, #tpu.memory_space<vmem>>, vector<16xf32>,
        %parallel_loop3A_48 = arith.remf %parallel_loop3A_47, %gather3A : vector<16xf32>
        %parallel_loop3A_49 = arith.constant 0 : i32
        %parallel_loop3A_50 = vector.broadcast %parallel_loop3A_49 : i32 to vector<16xi32>
        %parallel_loop3A_51 = arith.constant 32768 : i32
        %parallel_loop3A_52 = vector.broadcast %parallel_loop3A_51 : i32 to vector<16xi32>
        %parallel_loop3A_53 = arith.addi %parallel_loop3A_50, %parallel_loop3A_52 : vector<16xi32>
        %parallel_loop3A_54 = arith.minsi %parallel_loop3A_53, %broadcast_in_dim3A_3 : vector<16xi32>
        %parallel_loop3A_55 = tpu.vector_load_idx %arg7[%parallel_loop3A_54] : memref<65544xf32, #tpu.memory_space<vmem>>[vector<16xi32>], vector<16xf32>,
        %parallel_loop3A_56 = arith.cmpf ole, %parallel_loop3A_55, %parallel_loop3A_48 : vector<16xf32>
        %parallel_loop3A_57 = arith.select %parallel_loop3A_56, %parallel_loop3A_54, %parallel_loop3A_50 : vector<16xi1>, vector<16xi32>
        %parallel_loop3A_58 = arith.constant 16384 : i32
        %parallel_loop3A_59 = vector.broadcast %parallel_loop3A_58 : i32 to vector<16xi32>
        %parallel_loop3A_60 = arith.addi %parallel_loop3A_57, %parallel_loop3A_59 : vector<16xi32>
        %parallel_loop3A_61 = arith.minsi %parallel_loop3A_60, %broadcast_in_dim3A_3 : vector<16xi32>
        %parallel_loop3A_62 = tpu.vector_load_idx %arg7[%parallel_loop3A_61] : memref<65544xf32, #tpu.memory_space<vmem>>[vector<16xi32>], vector<16xf32>,
        %parallel_loop3A_63 = arith.cmpf ole, %parallel_loop3A_62, %parallel_loop3A_48 : vector<16xf32>
        %parallel_loop3A_64 = arith.select %parallel_loop3A_63, %parallel_loop3A_61, %parallel_loop3A_57 : vector<16xi1>, vector<16xi32>
        %parallel_loop3A_65 = arith.constant 8192 : i32
        %parallel_loop3A_66 = vector.broadcast %parallel_loop3A_65 : i32 to vector<16xi32>
        %parallel_loop3A_67 = arith.addi %parallel_loop3A_64, %parallel_loop3A_66 : vector<16xi32>
        %parallel_loop3A_68 = arith.minsi %parallel_loop3A_67, %broadcast_in_dim3A_3 : vector<16xi32>
        %parallel_loop3A_69 = tpu.vector_load_idx %arg7[%parallel_loop3A_68] : memref<65544xf32, #tpu.memory_space<vmem>>[vector<16xi32>], vector<16xf32>,
        %parallel_loop3A_70 = arith.cmpf ole, %parallel_loop3A_69, %parallel_loop3A_48 : vector<16xf32>
        %parallel_loop3A_71 = arith.select %parallel_loop3A_70, %parallel_loop3A_68, %parallel_loop3A_64 : vector<16xi1>, vector<16xi32>
        %parallel_loop3A_72 = arith.constant 4096 : i32
        %parallel_loop3A_73 = vector.broadcast %parallel_loop3A_72 : i32 to vector<16xi32>
        %parallel_loop3A_74 = arith.addi %parallel_loop3A_71, %parallel_loop3A_73 : vector<16xi32>
        %parallel_loop3A_75 = arith.minsi %parallel_loop3A_74, %broadcast_in_dim3A_3 : vector<16xi32>
        %parallel_loop3A_76 = tpu.vector_load_idx %arg7[%parallel_loop3A_75] : memref<65544xf32, #tpu.memory_space<vmem>>[vector<16xi32>], vector<16xf32>,
        %parallel_loop3A_77 = arith.cmpf ole, %parallel_loop3A_76, %parallel_loop3A_48 : vector<16xf32>
        %parallel_loop3A_78 = arith.select %parallel_loop3A_77, %parallel_loop3A_75, %parallel_loop3A_71 : vector<16xi1>, vector<16xi32>
        %parallel_loop3A_79 = arith.constant 2048 : i32
        %parallel_loop3A_80 = vector.broadcast %parallel_loop3A_79 : i32 to vector<16xi32>
        %parallel_loop3A_81 = arith.addi %parallel_loop3A_78, %parallel_loop3A_80 : vector<16xi32>
        %parallel_loop3A_82 = arith.minsi %parallel_loop3A_81, %broadcast_in_dim3A_3 : vector<16xi32>
        %parallel_loop3A_83 = tpu.vector_load_idx %arg7[%parallel_loop3A_82] : memref<65544xf32, #tpu.memory_space<vmem>>[vector<16xi32>], vector<16xf32>,
        %parallel_loop3A_84 = arith.cmpf ole, %parallel_loop3A_83, %parallel_loop3A_48 : vector<16xf32>
        %parallel_loop3A_85 = arith.select %parallel_loop3A_84, %parallel_loop3A_82, %parallel_loop3A_78 : vector<16xi1>, vector<16xi32>
        %parallel_loop3A_86 = arith.constant 1024 : i32
        %parallel_loop3A_87 = vector.broadcast %parallel_loop3A_86 : i32 to vector<16xi32>
        %parallel_loop3A_88 = arith.addi %parallel_loop3A_85, %parallel_loop3A_87 : vector<16xi32>
        %parallel_loop3A_89 = arith.minsi %parallel_loop3A_88, %broadcast_in_dim3A_3 : vector<16xi32>
        %parallel_loop3A_90 = tpu.vector_load_idx %arg7[%parallel_loop3A_89] : memref<65544xf32, #tpu.memory_space<vmem>>[vector<16xi32>], vector<16xf32>,
        %parallel_loop3A_91 = arith.cmpf ole, %parallel_loop3A_90, %parallel_loop3A_48 : vector<16xf32>
        %parallel_loop3A_92 = arith.select %parallel_loop3A_91, %parallel_loop3A_89, %parallel_loop3A_85 : vector<16xi1>, vector<16xi32>
        %parallel_loop3A_93 = arith.constant 512 : i32
        %parallel_loop3A_94 = vector.broadcast %parallel_loop3A_93 : i32 to vector<16xi32>
        %parallel_loop3A_95 = arith.addi %parallel_loop3A_92, %parallel_loop3A_94 : vector<16xi32>
        %parallel_loop3A_96 = arith.minsi %parallel_loop3A_95, %broadcast_in_dim3A_3 : vector<16xi32>
        %parallel_loop3A_97 = tpu.vector_load_idx %arg7[%parallel_loop3A_96] : memref<65544xf32, #tpu.memory_space<vmem>>[vector<16xi32>], vector<16xf32>,
        %parallel_loop3A_98 = arith.cmpf ole, %parallel_loop3A_97, %parallel_loop3A_48 : vector<16xf32>
        %parallel_loop3A_99 = arith.select %parallel_loop3A_98, %parallel_loop3A_96, %parallel_loop3A_92 : vector<16xi1>, vector<16xi32>
        %parallel_loop3A_100 = arith.constant 256 : i32
        %parallel_loop3A_101 = vector.broadcast %parallel_loop3A_100 : i32 to vector<16xi32>
        %parallel_loop3A_102 = arith.addi %parallel_loop3A_99, %parallel_loop3A_101 : vector<16xi32>
        %parallel_loop3A_103 = arith.minsi %parallel_loop3A_102, %broadcast_in_dim3A_3 : vector<16xi32>
        %parallel_loop3A_104 = tpu.vector_load_idx %arg7[%parallel_loop3A_103] : memref<65544xf32, #tpu.memory_space<vmem>>[vector<16xi32>], vector<16xf32>,
        %parallel_loop3A_105 = arith.cmpf ole, %parallel_loop3A_104, %parallel_loop3A_48 : vector<16xf32>
        %parallel_loop3A_106 = arith.select %parallel_loop3A_105, %parallel_loop3A_103, %parallel_loop3A_99 : vector<16xi1>, vector<16xi32>
        %parallel_loop3A_107 = arith.constant 128 : i32
        %parallel_loop3A_108 = vector.broadcast %parallel_loop3A_107 : i32 to vector<16xi32>
        %parallel_loop3A_109 = arith.addi %parallel_loop3A_106, %parallel_loop3A_108 : vector<16xi32>
        %parallel_loop3A_110 = arith.minsi %parallel_loop3A_109, %broadcast_in_dim3A_3 : vector<16xi32>
        %parallel_loop3A_111 = tpu.vector_load_idx %arg7[%parallel_loop3A_110] : memref<65544xf32, #tpu.memory_space<vmem>>[vector<16xi32>], vector<16xf32>,
        %parallel_loop3A_112 = arith.cmpf ole, %parallel_loop3A_111, %parallel_loop3A_48 : vector<16xf32>
        %parallel_loop3A_113 = arith.select %parallel_loop3A_112, %parallel_loop3A_110, %parallel_loop3A_106 : vector<16xi1>, vector<16xi32>
        %parallel_loop3A_114 = arith.constant 64 : i32
        %parallel_loop3A_115 = vector.broadcast %parallel_loop3A_114 : i32 to vector<16xi32>
        %parallel_loop3A_116 = arith.addi %parallel_loop3A_113, %parallel_loop3A_115 : vector<16xi32>
        %parallel_loop3A_117 = arith.minsi %parallel_loop3A_116, %broadcast_in_dim3A_3 : vector<16xi32>
        %parallel_loop3A_118 = tpu.vector_load_idx %arg7[%parallel_loop3A_117] : memref<65544xf32, #tpu.memory_space<vmem>>[vector<16xi32>], vector<16xf32>,
        %parallel_loop3A_119 = arith.cmpf ole, %parallel_loop3A_118, %parallel_loop3A_48 : vector<16xf32>
        %parallel_loop3A_120 = arith.select %parallel_loop3A_119, %parallel_loop3A_117, %parallel_loop3A_113 : vector<16xi1>, vector<16xi32>
        %parallel_loop3A_121 = arith.constant 32 : i32
        %parallel_loop3A_122 = vector.broadcast %parallel_loop3A_121 : i32 to vector<16xi32>
        %parallel_loop3A_123 = arith.addi %parallel_loop3A_120, %parallel_loop3A_122 : vector<16xi32>
        %parallel_loop3A_124 = arith.minsi %parallel_loop3A_123, %broadcast_in_dim3A_3 : vector<16xi32>
        %parallel_loop3A_125 = tpu.vector_load_idx %arg7[%parallel_loop3A_124] : memref<65544xf32, #tpu.memory_space<vmem>>[vector<16xi32>], vector<16xf32>,
        %parallel_loop3A_126 = arith.cmpf ole, %parallel_loop3A_125, %parallel_loop3A_48 : vector<16xf32>
        %parallel_loop3A_127 = arith.select %parallel_loop3A_126, %parallel_loop3A_124, %parallel_loop3A_120 : vector<16xi1>, vector<16xi32>
        %parallel_loop3A_128 = arith.constant 16 : i32
        %parallel_loop3A_129 = vector.broadcast %parallel_loop3A_128 : i32 to vector<16xi32>
        %parallel_loop3A_130 = arith.addi %parallel_loop3A_127, %parallel_loop3A_129 : vector<16xi32>
        %parallel_loop3A_131 = arith.minsi %parallel_loop3A_130, %broadcast_in_dim3A_3 : vector<16xi32>
        %parallel_loop3A_132 = tpu.vector_load_idx %arg7[%parallel_loop3A_131] : memref<65544xf32, #tpu.memory_space<vmem>>[vector<16xi32>], vector<16xf32>,
        %parallel_loop3A_133 = arith.cmpf ole, %parallel_loop3A_132, %parallel_loop3A_48 : vector<16xf32>
        %parallel_loop3A_134 = arith.select %parallel_loop3A_133, %parallel_loop3A_131, %parallel_loop3A_127 : vector<16xi1>, vector<16xi32>
        %parallel_loop3A_135 = arith.constant 8 : i32
        %parallel_loop3A_136 = vector.broadcast %parallel_loop3A_135 : i32 to vector<16xi32>
        %parallel_loop3A_137 = arith.addi %parallel_loop3A_134, %parallel_loop3A_136 : vector<16xi32>
        %parallel_loop3A_138 = arith.minsi %parallel_loop3A_137, %broadcast_in_dim3A_3 : vector<16xi32>
        %parallel_loop3A_139 = tpu.vector_load_idx %arg7[%parallel_loop3A_138] : memref<65544xf32, #tpu.memory_space<vmem>>[vector<16xi32>], vector<16xf32>,
        %parallel_loop3A_140 = arith.cmpf ole, %parallel_loop3A_139, %parallel_loop3A_48 : vector<16xf32>
        %parallel_loop3A_141 = arith.select %parallel_loop3A_140, %parallel_loop3A_138, %parallel_loop3A_134 : vector<16xi1>, vector<16xi32>
        %parallel_loop3A_142 = arith.constant 4 : i32
        %parallel_loop3A_143 = vector.broadcast %parallel_loop3A_142 : i32 to vector<16xi32>
        %parallel_loop3A_144 = arith.addi %parallel_loop3A_141, %parallel_loop3A_143 : vector<16xi32>
        %parallel_loop3A_145 = arith.minsi %parallel_loop3A_144, %broadcast_in_dim3A_3 : vector<16xi32>
        %parallel_loop3A_146 = tpu.vector_load_idx %arg7[%parallel_loop3A_145] : memref<65544xf32, #tpu.memory_space<vmem>>[vector<16xi32>], vector<16xf32>,
        %parallel_loop3A_147 = arith.cmpf ole, %parallel_loop3A_146, %parallel_loop3A_48 : vector<16xf32>
        %parallel_loop3A_148 = arith.select %parallel_loop3A_147, %parallel_loop3A_145, %parallel_loop3A_141 : vector<16xi1>, vector<16xi32>
        %parallel_loop3A_149 = arith.constant 2 : i32
        %parallel_loop3A_150 = vector.broadcast %parallel_loop3A_149 : i32 to vector<16xi32>
        %parallel_loop3A_151 = arith.addi %parallel_loop3A_148, %parallel_loop3A_150 : vector<16xi32>
        %parallel_loop3A_152 = arith.minsi %parallel_loop3A_151, %broadcast_in_dim3A_3 : vector<16xi32>
        %parallel_loop3A_153 = tpu.vector_load_idx %arg7[%parallel_loop3A_152] : memref<65544xf32, #tpu.memory_space<vmem>>[vector<16xi32>], vector<16xf32>,
        %parallel_loop3A_154 = arith.cmpf ole, %parallel_loop3A_153, %parallel_loop3A_48 : vector<16xf32>
        %parallel_loop3A_155 = arith.select %parallel_loop3A_154, %parallel_loop3A_152, %parallel_loop3A_148 : vector<16xi1>, vector<16xi32>
        %parallel_loop3A_156 = arith.constant 1 : i32
        %parallel_loop3A_157 = vector.broadcast %parallel_loop3A_156 : i32 to vector<16xi32>
        %parallel_loop3A_158 = arith.addi %parallel_loop3A_155, %parallel_loop3A_157 : vector<16xi32>
        %parallel_loop3A_159 = arith.minsi %parallel_loop3A_158, %broadcast_in_dim3A_3 : vector<16xi32>
        %parallel_loop3A_160 = tpu.vector_load_idx %arg7[%parallel_loop3A_159] : memref<65544xf32, #tpu.memory_space<vmem>>[vector<16xi32>], vector<16xf32>,
        %parallel_loop3A_161 = arith.cmpf ole, %parallel_loop3A_160, %parallel_loop3A_48 : vector<16xf32>
        %parallel_loop3A_162 = arith.select %parallel_loop3A_161, %parallel_loop3A_159, %parallel_loop3A_155 : vector<16xi1>, vector<16xi32>
        %parallel_loop3A_163 = tpu.vector_load_idx %arg7[%parallel_loop3A_162] : memref<65544xf32, #tpu.memory_space<vmem>>[vector<16xi32>], vector<16xf32>,
        %parallel_loop3A_164 = arith.constant 1 : i32
        %parallel_loop3A_165 = vector.broadcast %parallel_loop3A_164 : i32 to vector<16xi32>
        %parallel_loop3A_166 = arith.addi %parallel_loop3A_162, %parallel_loop3A_165 : vector<16xi32>
        %parallel_loop3A_167 = tpu.vector_load_idx %arg7[%parallel_loop3A_166] : memref<65544xf32, #tpu.memory_space<vmem>>[vector<16xi32>], vector<16xf32>,
        %parallel_loop3A_168 = arith.constant 16 : i32
        %parallel_loop3A_169 = arith.muli %parallel_loop3A_43, %parallel_loop3A_168 : i32
        %parallel_loop3A_170 = arith.index_cast %parallel_loop3A_169 : i32 to index
        %parallel_loop3A_171 = tpu.vector_load %arg10[%parallel_loop3A_170] {strides = array<i32>} : memref<128xi32, #tpu.memory_space<vmem>>, vector<16xi32>,
        tpu.vector_store %arg10[%parallel_loop3A_170], %parallel_loop3A_162 {strides = array<i32>} : memref<128xi32, #tpu.memory_space<vmem>>, vector<16xi32>,
        %parallel_loop3A_172 = arith.subf %parallel_loop3A_48, %parallel_loop3A_163 : vector<16xf32>
        %parallel_loop3A_173 = arith.subf %parallel_loop3A_167, %parallel_loop3A_163 : vector<16xf32>
        %parallel_loop3A_174 = arith.divf %parallel_loop3A_172, %parallel_loop3A_173 : vector<16xf32>
        %parallel_loop3A_175 = arith.constant 16 : i32
        %parallel_loop3A_176 = arith.muli %parallel_loop3A_43, %parallel_loop3A_175 : i32
        %parallel_loop3A_177 = arith.index_cast %parallel_loop3A_176 : i32 to index
        %parallel_loop3A_178 = tpu.vector_load %arg9[%parallel_loop3A_177] {strides = array<i32>} : memref<128xf32, #tpu.memory_space<vmem>>, vector<16xf32>,
        tpu.vector_store %arg9[%parallel_loop3A_177], %parallel_loop3A_174 {strides = array<i32>} : memref<128xf32, #tpu.memory_space<vmem>>, vector<16xf32>,
      } {sc.loop_unroll_factor = 4 : i64, sc.parallel_access}
      %dma_start3A_22 = arith.constant 0 : i32
      %dma_start3A_23 = arith.constant 0 : i32
      %dma_start3A_24 = tpu.memref_slice %arg4[%dma_start3A_22, %dma_start3A_23] : memref<65536x16xf32, #tpu.memory_space<hbm>> -> memref<65536x16xf32, #tpu.memory_space<hbm>>
      tpu.enqueue_indirect_dma source(%dma_start3A_24 : memref<65536x16xf32, #tpu.memory_space<hbm>>) target(%arg11 : memref<128x16xf32, #tpu.memory_space<vmem>>) offsets(%arg10 : memref<128xi32, #tpu.memory_space<vmem>>) semaphore(%arg13 : memref<!tpu.dma_semaphore, #tpu.memory_space<semaphore_mem>>)
      %dma_wait3A_25 = arith.constant 0 : i32
      %dma_wait3A_26 = arith.constant 0 : i32
      %dma_wait3A_27 = tpu.memref_slice %arg4[%dma_wait3A_25, %dma_wait3A_26] : memref<65536x16xf32, #tpu.memory_space<hbm>> -> memref<65536x16xf32, #tpu.memory_space<hbm>>
      tpu.wait_indirect_dma semaphore(%arg13 : memref<!tpu.dma_semaphore, #tpu.memory_space<semaphore_mem>>) src(%dma_wait3A_27 : memref<65536x16xf32, #tpu.memory_space<hbm>>) dst(%arg11 : memref<128x16xf32, #tpu.memory_space<vmem>>)
      %parallel_loop3A_28 = arith.constant 0 : i32
      %parallel_loop3A_29 = arith.constant 8 : i32
      %parallel_loop3A_30 = arith.constant 1 : i32
      scf.for %parallel_loop3A_43 = %parallel_loop3A_28 to %parallel_loop3A_29 step %parallel_loop3A_30  : i32 {
        %parallel_loop3A_44 = arith.constant 16 : i32
        %parallel_loop3A_45 = arith.muli %parallel_loop3A_43, %parallel_loop3A_44 : i32
        %parallel_loop3A_46 = arith.index_cast %parallel_loop3A_45 : i32 to index
        %parallel_loop3A_47 = tpu.vector_load %arg9[%parallel_loop3A_46] {strides = array<i32>} : memref<128xf32, #tpu.memory_space<vmem>>, vector<16xf32>,
        %parallel_loop3A_48 = arith.constant 1.000000e+00 : f32
        %parallel_loop3A_49 = vector.broadcast %parallel_loop3A_48 : f32 to vector<16xf32>
        %parallel_loop3A_50 = arith.subf %parallel_loop3A_49, %parallel_loop3A_47 : vector<16xf32>
        %parallel_loop3A_51 = arith.mulf %parallel_loop3A_47, %parallel_loop3A_47 : vector<16xf32>
        %parallel_loop3A_52 = arith.mulf %parallel_loop3A_50, %parallel_loop3A_50 : vector<16xf32>
        %parallel_loop3A_53 = arith.mulf %parallel_loop3A_52, %parallel_loop3A_50 : vector<16xf32>
        %parallel_loop3A_54 = arith.constant 3.000000e+00 : f32
        %parallel_loop3A_55 = vector.broadcast %parallel_loop3A_54 : f32 to vector<16xf32>
        %parallel_loop3A_56 = arith.mulf %parallel_loop3A_55, %parallel_loop3A_47 : vector<16xf32>
        %parallel_loop3A_57 = arith.mulf %parallel_loop3A_56, %parallel_loop3A_52 : vector<16xf32>
        %parallel_loop3A_58 = arith.constant 3.000000e+00 : f32
        %parallel_loop3A_59 = vector.broadcast %parallel_loop3A_58 : f32 to vector<16xf32>
        %parallel_loop3A_60 = arith.mulf %parallel_loop3A_59, %parallel_loop3A_51 : vector<16xf32>
        %parallel_loop3A_61 = arith.mulf %parallel_loop3A_60, %parallel_loop3A_50 : vector<16xf32>
        %parallel_loop3A_62 = arith.mulf %parallel_loop3A_51, %parallel_loop3A_47 : vector<16xf32>
        %parallel_loop3A_63 = arith.constant 16 : i32
        %parallel_loop3A_64 = arith.muli %parallel_loop3A_43, %parallel_loop3A_63 : i32
        %parallel_loop3A_65 = vector.broadcast %parallel_loop3A_64 : i32 to vector<16xi32>
        %parallel_loop3A_66 = arith.addi %parallel_loop3A_65, %iota3A : vector<16xi32>
        %parallel_loop3A_67 = arith.constant 0 : i32
        %parallel_loop3A_68 = vector.broadcast %parallel_loop3A_67 : i32 to vector<16xi32>
        %parallel_loop3A_69 = tpu.vector_load_idx %arg11[%parallel_loop3A_66, %parallel_loop3A_68] : memref<128x16xf32, #tpu.memory_space<vmem>>[vector<16xi32>, vector<16xi32>], vector<16xf32>,
        %parallel_loop3A_70 = arith.constant 3 : i32
        %parallel_loop3A_71 = vector.broadcast %parallel_loop3A_70 : i32 to vector<16xi32>
        %parallel_loop3A_72 = tpu.vector_load_idx %arg11[%parallel_loop3A_66, %parallel_loop3A_71] : memref<128x16xf32, #tpu.memory_space<vmem>>[vector<16xi32>, vector<16xi32>], vector<16xf32>,
        %parallel_loop3A_73 = arith.constant 6 : i32
        %parallel_loop3A_74 = vector.broadcast %parallel_loop3A_73 : i32 to vector<16xi32>
        %parallel_loop3A_75 = tpu.vector_load_idx %arg11[%parallel_loop3A_66, %parallel_loop3A_74] : memref<128x16xf32, #tpu.memory_space<vmem>>[vector<16xi32>, vector<16xi32>], vector<16xf32>,
        %parallel_loop3A_76 = arith.constant 9 : i32
        %parallel_loop3A_77 = vector.broadcast %parallel_loop3A_76 : i32 to vector<16xi32>
        %parallel_loop3A_78 = tpu.vector_load_idx %arg11[%parallel_loop3A_66, %parallel_loop3A_77] : memref<128x16xf32, #tpu.memory_space<vmem>>[vector<16xi32>, vector<16xi32>], vector<16xf32>,
        %parallel_loop3A_79 = arith.mulf %parallel_loop3A_53, %parallel_loop3A_69 : vector<16xf32>
        %parallel_loop3A_80 = arith.mulf %parallel_loop3A_57, %parallel_loop3A_72 : vector<16xf32>
        %parallel_loop3A_81 = arith.addf %parallel_loop3A_79, %parallel_loop3A_80 : vector<16xf32>
        %parallel_loop3A_82 = arith.mulf %parallel_loop3A_61, %parallel_loop3A_75 : vector<16xf32>
        %parallel_loop3A_83 = arith.addf %parallel_loop3A_81, %parallel_loop3A_82 : vector<16xf32>
        %parallel_loop3A_84 = arith.mulf %parallel_loop3A_62, %parallel_loop3A_78 : vector<16xf32>
        %parallel_loop3A_85 = arith.addf %parallel_loop3A_83, %parallel_loop3A_84 : vector<16xf32>
        %parallel_loop3A_86 = arith.constant 0 : i32
        %parallel_loop3A_87 = vector.broadcast %parallel_loop3A_86 : i32 to vector<16xi32>
        tpu.vector_store_idx %arg12[%parallel_loop3A_66, %parallel_loop3A_87], %parallel_loop3A_85 : memref<128x3xf32, #tpu.memory_space<vmem>>[vector<16xi32>, vector<16xi32>], vector<16xf32>,
        %parallel_loop3A_88 = arith.constant 1 : i32
        %parallel_loop3A_89 = vector.broadcast %parallel_loop3A_88 : i32 to vector<16xi32>
        %parallel_loop3A_90 = tpu.vector_load_idx %arg11[%parallel_loop3A_66, %parallel_loop3A_89] : memref<128x16xf32, #tpu.memory_space<vmem>>[vector<16xi32>, vector<16xi32>], vector<16xf32>,
        %parallel_loop3A_91 = arith.constant 4 : i32
        %parallel_loop3A_92 = vector.broadcast %parallel_loop3A_91 : i32 to vector<16xi32>
        %parallel_loop3A_93 = tpu.vector_load_idx %arg11[%parallel_loop3A_66, %parallel_loop3A_92] : memref<128x16xf32, #tpu.memory_space<vmem>>[vector<16xi32>, vector<16xi32>], vector<16xf32>,
        %parallel_loop3A_94 = arith.constant 7 : i32
        %parallel_loop3A_95 = vector.broadcast %parallel_loop3A_94 : i32 to vector<16xi32>
        %parallel_loop3A_96 = tpu.vector_load_idx %arg11[%parallel_loop3A_66, %parallel_loop3A_95] : memref<128x16xf32, #tpu.memory_space<vmem>>[vector<16xi32>, vector<16xi32>], vector<16xf32>,
        %parallel_loop3A_97 = arith.constant 10 : i32
        %parallel_loop3A_98 = vector.broadcast %parallel_loop3A_97 : i32 to vector<16xi32>
        %parallel_loop3A_99 = tpu.vector_load_idx %arg11[%parallel_loop3A_66, %parallel_loop3A_98] : memref<128x16xf32, #tpu.memory_space<vmem>>[vector<16xi32>, vector<16xi32>], vector<16xf32>,
        %parallel_loop3A_100 = arith.mulf %parallel_loop3A_53, %parallel_loop3A_90 : vector<16xf32>
        %parallel_loop3A_101 = arith.mulf %parallel_loop3A_57, %parallel_loop3A_93 : vector<16xf32>
        %parallel_loop3A_102 = arith.addf %parallel_loop3A_100, %parallel_loop3A_101 : vector<16xf32>
        %parallel_loop3A_103 = arith.mulf %parallel_loop3A_61, %parallel_loop3A_96 : vector<16xf32>
        %parallel_loop3A_104 = arith.addf %parallel_loop3A_102, %parallel_loop3A_103 : vector<16xf32>
        %parallel_loop3A_105 = arith.mulf %parallel_loop3A_62, %parallel_loop3A_99 : vector<16xf32>
        %parallel_loop3A_106 = arith.addf %parallel_loop3A_104, %parallel_loop3A_105 : vector<16xf32>
        %parallel_loop3A_107 = arith.constant 1 : i32
        %parallel_loop3A_108 = vector.broadcast %parallel_loop3A_107 : i32 to vector<16xi32>
        tpu.vector_store_idx %arg12[%parallel_loop3A_66, %parallel_loop3A_108], %parallel_loop3A_106 : memref<128x3xf32, #tpu.memory_space<vmem>>[vector<16xi32>, vector<16xi32>], vector<16xf32>,
        %parallel_loop3A_109 = arith.constant 2 : i32
        %parallel_loop3A_110 = vector.broadcast %parallel_loop3A_109 : i32 to vector<16xi32>
        %parallel_loop3A_111 = tpu.vector_load_idx %arg11[%parallel_loop3A_66, %parallel_loop3A_110] : memref<128x16xf32, #tpu.memory_space<vmem>>[vector<16xi32>, vector<16xi32>], vector<16xf32>,
        %parallel_loop3A_112 = arith.constant 5 : i32
        %parallel_loop3A_113 = vector.broadcast %parallel_loop3A_112 : i32 to vector<16xi32>
        %parallel_loop3A_114 = tpu.vector_load_idx %arg11[%parallel_loop3A_66, %parallel_loop3A_113] : memref<128x16xf32, #tpu.memory_space<vmem>>[vector<16xi32>, vector<16xi32>], vector<16xf32>,
        %parallel_loop3A_115 = arith.constant 8 : i32
        %parallel_loop3A_116 = vector.broadcast %parallel_loop3A_115 : i32 to vector<16xi32>
        %parallel_loop3A_117 = tpu.vector_load_idx %arg11[%parallel_loop3A_66, %parallel_loop3A_116] : memref<128x16xf32, #tpu.memory_space<vmem>>[vector<16xi32>, vector<16xi32>], vector<16xf32>,
        %parallel_loop3A_118 = arith.constant 11 : i32
        %parallel_loop3A_119 = vector.broadcast %parallel_loop3A_118 : i32 to vector<16xi32>
        %parallel_loop3A_120 = tpu.vector_load_idx %arg11[%parallel_loop3A_66, %parallel_loop3A_119] : memref<128x16xf32, #tpu.memory_space<vmem>>[vector<16xi32>, vector<16xi32>], vector<16xf32>,
        %parallel_loop3A_121 = arith.mulf %parallel_loop3A_53, %parallel_loop3A_111 : vector<16xf32>
        %parallel_loop3A_122 = arith.mulf %parallel_loop3A_57, %parallel_loop3A_114 : vector<16xf32>
        %parallel_loop3A_123 = arith.addf %parallel_loop3A_121, %parallel_loop3A_122 : vector<16xf32>
        %parallel_loop3A_124 = arith.mulf %parallel_loop3A_61, %parallel_loop3A_117 : vector<16xf32>
        %parallel_loop3A_125 = arith.addf %parallel_loop3A_123, %parallel_loop3A_124 : vector<16xf32>
        %parallel_loop3A_126 = arith.mulf %parallel_loop3A_62, %parallel_loop3A_120 : vector<16xf32>
        %parallel_loop3A_127 = arith.addf %parallel_loop3A_125, %parallel_loop3A_126 : vector<16xf32>
        %parallel_loop3A_128 = arith.constant 2 : i32
        %parallel_loop3A_129 = vector.broadcast %parallel_loop3A_128 : i32 to vector<16xi32>
        tpu.vector_store_idx %arg12[%parallel_loop3A_66, %parallel_loop3A_129], %parallel_loop3A_127 : memref<128x3xf32, #tpu.memory_space<vmem>>[vector<16xi32>, vector<16xi32>], vector<16xf32>,
      } {sc.loop_unroll_factor = 2 : i64, sc.parallel_access}
      %dma_start3A_31 = arith.constant 0 : i32
      %dma_start3A_32 = tpu.memref_slice %arg5[%add3A_17, %dma_start3A_31] : memref<2097152x3xf32, #tpu.memory_space<hbm>> -> memref<128x3xf32, #tpu.memory_space<hbm>>
      %dma_start3A_33 = arith.constant 0 : i32
      %dma_start3A_34 = tpu.memref_slice %arg5[%add3A_17, %dma_start3A_33] : memref<2097152x3xf32, #tpu.memory_space<hbm>> -> memref<128x3xf32, #tpu.memory_space<hbm>>
      tpu.enqueue_dma source(%arg12 : memref<128x3xf32, #tpu.memory_space<vmem>>) target(%dma_start3A_34 : memref<128x3xf32, #tpu.memory_space<hbm>>) target_semaphore(%arg13 : memref<!tpu.dma_semaphore, #tpu.memory_space<semaphore_mem>>)
      %dma_wait3A_35 = arith.constant 0 : i32
      %dma_wait3A_36 = tpu.memref_slice %arg5[%add3A_17, %dma_wait3A_35] : memref<2097152x3xf32, #tpu.memory_space<hbm>> -> memref<128x3xf32, #tpu.memory_space<hbm>>
      %dma_wait3A_37 = arith.constant 0 : i32
      %dma_wait3A_38 = tpu.memref_slice %arg5[%add3A_17, %dma_wait3A_37] : memref<2097152x3xf32, #tpu.memory_space<hbm>> -> memref<128x3xf32, #tpu.memory_space<hbm>>
      tpu.wait_dma2 semaphore(%arg13 : memref<!tpu.dma_semaphore, #tpu.memory_space<semaphore_mem>>) src(%arg12 : memref<128x3xf32, #tpu.memory_space<vmem>>) dst(%dma_wait3A_38 : memref<128x3xf32, #tpu.memory_space<hbm>>)
      %dma_start3A_39 = tpu.memref_slice %arg6[%add3A_17] : memref<2097152xi32, #tpu.memory_space<hbm>> -> memref<128xi32, #tpu.memory_space<hbm>>
      %dma_start3A_40 = tpu.memref_slice %arg6[%add3A_17] : memref<2097152xi32, #tpu.memory_space<hbm>> -> memref<128xi32, #tpu.memory_space<hbm>>
      tpu.enqueue_dma source(%arg10 : memref<128xi32, #tpu.memory_space<vmem>>) target(%dma_start3A_40 : memref<128xi32, #tpu.memory_space<hbm>>) target_semaphore(%arg13 : memref<!tpu.dma_semaphore, #tpu.memory_space<semaphore_mem>>)
      %dma_wait3A_41 = tpu.memref_slice %arg6[%add3A_17] : memref<2097152xi32, #tpu.memory_space<hbm>> -> memref<128xi32, #tpu.memory_space<hbm>>
      %dma_wait3A_42 = tpu.memref_slice %arg6[%add3A_17] : memref<2097152xi32, #tpu.memory_space<hbm>> -> memref<128xi32, #tpu.memory_space<hbm>>
      tpu.wait_dma2 semaphore(%arg13 : memref<!tpu.dma_semaphore, #tpu.memory_space<semaphore_mem>>) src(%arg10 : memref<128xi32, #tpu.memory_space<vmem>>) dst(%dma_wait3A_42 : memref<128xi32, #tpu.memory_space<hbm>>)
    }
    %scan3A_7 = arith.constant 512 : i32
    return
  }
}

</mosaic_0001>

<sc_bundles>
// kernel: _sc_bezier.3.cloned.1.call-start
scs
__scs_entry_jumppad:
0x0: {  	(pc) =	sbr.rel $0x88, $3  }
0x1: {  	(tag) =	ssettag $0x0;
	lr =	simm.s32 $0x1  }
0x2: {  	[smem:$0x3F9E] =	sst lr;
	_ =	strace $0xD0000000  }
0x3: {  	_ = 	snop  }
0x4: {  	_ = 	snop  }
0x5: {  	_ = 	snop  }
0x6: {  	_ = 	snop  }
0x7: {  	_ = 	snop  }
__scs_overlays_trampoline_lowered:
0x8: {  	[smem:$0x3FAD] =	sst s0  }
0x9: {  	[smem:$0x3FAE] =	sst s1  }
0xa: {  	[smem:$0x3FAF] =	sst s2  }
0xb: {  	[smem:$0x3FB0] =	sst s3  }
0xc: {  	[smem:$0x3FB1] =	sst s4  }
0xd: {  	[smem:$0x3FB2] =	sst s5  }
0xe: {  	[smem:$0x3FB3] =	sst s6  }
0xf: {  	[smem:$0x3FB4] =	sst s7  }
0x10: {  	[smem:$0x3FB5] =	sst s8  }
0x11: {  	[smem:$0x3FB6] =	sst s9;
	s0 =	simm.s32 @!p0 $0x0  }
0x12: {  	s1 =	sld [smem:$0x3F9C];
	s0 =	simm.s32 @p0 $0x1  }
0x13: {  	[smem:$0x3FB7] =	sst s0;
	s0 =	simm.s32 @!p1 $0x0  }
0x14: {  	s2 =	sld [smem:$0x3F9B];
	s0 =	simm.s32 @p1 $0x1  }
0x15: {  	[smem:$0x3FB8] =	sst s0;
	s0 =	simm.s32 @!p2 $0x0  }
0x16: {  	s3 =	sld [smem:$0x3FDB];
	s0 =	simm.s32 @p2 $0x1  }
0x17: {  	s4 =	simm.s32 $0x1BF5;
	[smem:$0x3FBA] =	sst s0  }
0x18: {  	s0 =	sld [smem:$0x3F9D];
	_ =	swait.ge [sflag:s4], $0x0  }
0x19: {  	s7 =	sld [smem:$0x3F9E]  }
0x1a: {  	s8 =	sadd.s32 $0xFFFFE003, lr  }
0x1b: {  	s9 =	sadd.s32 $0xFFFFFEF7, lr;
	s5 =	simm.s32 $0xFFFFFFFF;
	p2 =	slt.u32 s8, $0xFFFFF086  }
0x1c: {  	p1 =	slt.u32 s9, $0xF7A;
	s5 =	simm.s32 @!p2 $0x0  }
0x1d: {  	s5 =	simm.s32 @p1 $0x1;
	p0 =	seq.s32 s7, s2  }
0x1e: {  	s7 =	smul.u32 @!p0 $0xF7A, s2;
	p2 =	seq.s32 @!p0 s5, $0x0  }
0x1f: {  	s9 =	smul.u32 $0xF7A, s1;
	s8 =	simm.s32 @!p0 $0x1BF5;
	p2 =	por !p2, p0  }
0x20: {  	[sflag:s8] =	ssyncset.s32 @!p0 $0xFFFFF086;
	s6 =	sadd.s32 @!p0 s3, s7;
	s7 =	simm.s32 @!p0 $0x108  }
0x21: {  	s3 =	sadd.s32 s3, s9;
	s6 =	sadd.s32 @!p0 $0x88, s6;
	s7 =	simm.s32 @p2 $0x1082  }
0x22: {  	[simem:s7], [sflag:s8] =	dma.local @!p0 [hbm:s6], $0xF7A  }
0x23: {  	s9 =	sor.u32 $0xD0000000, s2;
	s6 =	simm.s32 $0x108;
	_ =	swait.ge @!p0 [sflag:s8], $0x0  }
0x24: {  	s3 =	sadd.s32 $0x88, s3;
	s6 =	simm.s32 @!p1 $0x1082;
	[sflag:s4] =	ssyncset.s32 $0xFFFFF086  }
0x25: {  	[simem:s6], [sflag:s4] =	dma.local [hbm:s3], $0xF7A  }
0x26: {  	[smem:$0x3F9E] =	sst s1;
	(tag) =	ssettag s2;
	_ =	strace s9  }
0x27: {  	s1 =	sld [smem:$0x3FAE]  }
0x28: {  	s2 =	sld [smem:$0x3FAF]  }
0x29: {  	s4 =	sld [smem:$0x3FB1]  }
0x2a: {  	p0 =	seq.s32 s5, $0x0;
	s5 =	sld [smem:$0x3FB2]  }
0x2b: {  	s6 =	sld [smem:$0x3FB3]  }
0x2c: {  	s7 =	sld [smem:$0x3FB4]  }
0x2d: {  	s3 =	simm.s32 $0x108;
	s8 =	sld [smem:$0x3FB5]  }
0x2e: {  	s3 =	simm.s32 @!p0 $0x1082;
	s9 =	sld [smem:$0x3FB6]  }
0x2f: {  	lr =	sadd.s32 s0, s3;
	s0 =	sld [smem:$0x3FAD]  }
0x30: {  	s3 =	sld [smem:$0x3FB0]  }
0x31: {  	[smem:$0x3FB9] =	sst s10  }
0x32: {  	s10 =	sld [smem:$0x3FB7];
	_ =	sdelay $0x3  }
0x33: {  	p0 =	seq.s32 s10, $0x1;
	s10 =	sld [smem:$0x3FB9];
	_ =	sdelay $0x3  }
0x34: {  	[smem:$0x3FB9] =	sst s10  }
0x35: {  	s10 =	sld [smem:$0x3FB8];
	_ =	sdelay $0x3  }
0x36: {  	p1 =	seq.s32 s10, $0x1;
	s10 =	sld [smem:$0x3FB9];
	_ =	sdelay $0x3  }
0x37: {  	[smem:$0x3FB9] =	sst s10  }
0x38: {  	s10 =	sld [smem:$0x3FBA]  }
0x39: {  	_ = 	snop;
	(pc) =	sbr.ind lr, $3  }
0x3a: {  	_ = 	snop  }
0x3b: {  	_ = 	snop  }
0x3c: {  	p2 =	seq.s32 s10, $0x1;
	s10 =	sld [smem:$0x3FB9]  }
0x3d: {  	_ =	shalt  }
0x3e: {  	_ =	shalt  }
0x3f: {  	_ =	shalt  }
0x40: {  	_ =	shalt  }
0x41: {  	_ =	shalt  }
0x42: {  	_ =	shalt  }
0x43: {  	_ =	shalt  }
0x44: {  	_ =	shalt  }
0x45: {  	_ =	shalt  }
0x46: {  	_ =	shalt  }
0x47: {  	_ =	shalt  }
0x48: {  	_ =	shalt  }
0x49: {  	_ =	shalt  }
0x4a: {  	_ =	shalt  }
0x4b: {  	_ =	shalt  }
0x4c: {  	_ =	shalt  }
0x4d: {  	_ =	shalt  }
0x4e: {  	_ =	shalt  }
0x4f: {  	_ =	shalt  }
0x50: {  	_ =	shalt  }
0x51: {  	_ =	shalt  }
0x52: {  	_ =	shalt  }
0x53: {  	_ =	shalt  }
0x54: {  	_ =	shalt  }
0x55: {  	_ =	shalt  }
0x56: {  	_ =	shalt  }
0x57: {  	_ =	shalt  }
0x58: {  	_ =	shalt  }
0x59: {  	_ =	shalt  }
0x5a: {  	_ =	shalt  }
0x5b: {  	_ =	shalt  }
0x5c: {  	_ =	shalt  }
0x5d: {  	_ =	shalt  }
0x5e: {  	_ =	shalt  }
0x5f: {  	_ =	shalt  }
0x60: {  	_ =	shalt  }
0x61: {  	_ =	shalt  }
0x62: {  	_ =	shalt  }
0x63: {  	_ =	shalt  }
0x64: {  	_ =	shalt  }
0x65: {  	_ =	shalt  }
0x66: {  	_ =	shalt  }
0x67: {  	_ =	shalt  }
0x68: {  	_ =	shalt  }
0x69: {  	_ =	shalt  }
0x6a: {  	_ =	shalt  }
0x6b: {  	_ =	shalt  }
0x6c: {  	_ =	shalt  }
0x6d: {  	_ =	shalt  }
0x6e: {  	_ =	shalt  }
0x6f: {  	_ =	shalt  }
0x70: {  	_ =	shalt  }
0x71: {  	_ =	shalt  }
0x72: {  	_ =	shalt  }
0x73: {  	_ =	shalt  }
0x74: {  	_ =	shalt  }
0x75: {  	_ =	shalt  }
0x76: {  	_ =	shalt  }
0x77: {  	_ =	shalt  }
0x78: {  	_ =	shalt  }
0x79: {  	_ =	shalt  }
0x7a: {  	_ =	shalt  }
0x7b: {  	_ =	shalt  }
0x7c: {  	_ =	shalt  }
0x7d: {  	_ =	shalt  }
0x7e: {  	_ =	shalt  }
0x7f: {  	_ =	shalt  }
0x80: {  	_ =	shalt  }
0x81: {  	_ =	shalt  }
0x82: {  	_ =	shalt  }
0x83: {  	_ =	shalt  }
0x84: {  	_ =	shalt  }
0x85: {  	_ =	shalt  }
0x86: {  	_ =	shalt  }
0x87: {  	_ =	shalt  }
.Lfunc_end0:
.L_simem_size_0:
called_computation_lowered:
.L_overlay_start_0:
0x88: {  	s2 =	sld [smem:$0x3FD9]  }
0x89: {  	s3 =	sld [smem:$0x3FFE];
	_ =	sdelay $0x1  }
0x8a: {  	s1 =	srdreg.scid  }
0x8b: {  	s0 =	sand.u32 $0x1, s1  }
0x8c: {  	s14 =	sshll.u32 s0, $0xA;
	s2 =	sadd.s32 s3, s2  }
0x8d: {  	s2 =	sadd.s32 s2, s14  }
0x8e: {  	[smem:$0x3FC5] =	sst s2  }
0x8f: {  	_ = 	snop  }
0x90: {  	s2 =	sld [smem:$0x3FD0];
	_ =	sdelay $0x1  }
0x91: {  	s15 =	sld [smem:$0x3FC9]  }
0x92: {  	s5 =	simm.s32 $0xA;
	s6 =	simm.s32 $0x10;
	s4 =	sld [smem:$0x3FC8]  }
0x93: {  	[smem:s6], [sflag:s5] =	dma.local [hbm:s2], $0x1  }
0x94: {  	_ =	swait.eq [sflag:s5], $0x1  }
0x95: {  	[sflag:s5] =	ssyncset.done $0x0  }
0x96: {  	[sflag:s5] =	ssyncadd.s32 $0xFFFFFFFF  }
0x97: {  	s16 =	sld [smem:$0x11];
	(tm) =	ssettm $0x1  }
0x98: {  	s17 =	sld [smem:$0x3FFB];
	_ =	sdelay $0x3  }
0x99: {  	_ =	strace s17  }
0x9a: {  	s5 =	sld [smem:$0x3FFC];
	_ =	sdelay $0x3  }
0x9b: {  	_ =	strace s5  }
0x9c: {  	s5 =	sld [smem:$0x3FFD];
	_ =	sdelay $0x3  }
0x9d: {  	_ =	strace s5  }
0x9e: {  	_ =	strace $0x8FFFFFFF  }
0x9f: {  	s18 =	sld [smem:$0x3FDB];
	_ =	sdelay $0x1  }
0xa0: {  	s19 =	simm.s32 $_scs_section_size  }
0xa1: {  	s7 =	simm.s32 $_size__tile_overlayer_lowered;
	s8 =	simm.s32 $_tile_overlayer_lowered  }
0xa2: {  	s22 =	simm.s32 $0x1BFF;
	s21 =	sshll.u32 s8, $0x1;
	s5 =	sadd.s32 s19, s18  }
0xa3: {  	s9 =	simm.s32 $0x0;
	s20 =	sshll.u32 s7, $0x1;
	s7 =	sadd.s32 s21, s5  }
0xa4: {  	[timem:s9], [sflag:s22] =	dma.local [hbm:s7], s20  }
0xa5: {  	_ =	swait.ge [sflag:s22], s20  }
0xa6: {  	s6 =	ssub.s32 $0x0, s20;
	[sflag:s22] =	ssyncset.done $0x0  }
0xa7: {  	[sflag:s22] =	ssyncadd.s32 s6;
	_ =	sdelay $0x1  }
0xa8: {  	s23 =	simm.s32 $0x1B8B  }
0xa9: {  	_ =	swait.ge [sflag:s23], $0x1  }
0xaa: {  	[sflag:s23] =	ssyncset.done $0x0  }
0xab: {  	s25 =	simm.s32 $0x1B8E;
	s24 =	sld [smem:$0x3FFE];
	[sflag:s23] =	ssyncadd.s32 $0xFFFFFFFF  }
0xac: {  	s26 =	simm.s32 $execute0_lowered;
	[smem:$0x3FD2] =	sst s25  }
0xad: {  	s7 =	sshll.u32 s26, $0x1;
	_ =	strace $0x80000046;
	[dreg:$0x1] =	wrdreg $0xFFFFFFFF  }
0xae: {  	s28 =	simm.s32 $_size_execute0_lowered;
	s5 =	sadd.s32 s5, s7;
	[dreg:$0x0] =	wrdreg $0x0  }
0xaf: {  	s7 =	sshll.u32 s28, $0x1;
	[dreg:$0x2] =	wrdreg s5  }
0xb0: {  	[dreg:$0x3] =	wrdreg s7  }
0xb1: {  	[dreg:$0x4] =	wrdreg $0xC0  }
0xb2: {  	_ =	task [dreg:s9], $0x5FFFF  }
0xb3: {  	[dreg:$0x1] =	wrdreg $0xFFFFFFFF  }
0xb4: {  	[dreg:$0x0] =	wrdreg $0x60  }
0xb5: {  	[dreg:$0x2] =	wrdreg s15  }
0xb6: {  	[dreg:$0x3] =	wrdreg s4  }
0xb7: {  	[dreg:$0x4] =	wrdreg s24  }
0xb8: {  	[dreg:$0x5] =	wrdreg s16  }
0xb9: {  	[dreg:$0x6] =	wrdreg $0x9  }
0xba: {  	_ =	task.clear_ibuf [dreg:s9], $0x7FFFF;
	_ =	strace $0x90000046  }
0xbb: {  	s29 =	simm.s32 $0x9;
	_ =	strace $0x80000048  }
0xbc: {  	_ =	swait.ge [sflag:s29], $0x1  }
0xbd: {  	[sflag:s29] =	ssyncadd.s32 $0xFFFFFFFF  }
0xbe: {  	_ =	strace $0x90000048  }
0xbf: {  	_ =	sfence  }
0xc0: {  	s30 =	sld [smem:$0x0];
	_ =	sdelay $0x2  }
0xc1: {  	s31 =	sshll.u32 s1, $0xD;
	s1 =	sshrl.u32 s1, $0x2  }
0xc2: {  	s3 =	sand.u32 $0x4000, s31;
	s1 =	sadd.s32 s1, s30  }
0xc3: {  	s0 =	sor.u32 s3, s0;
	s1 =	sshll.u32 s1, $0x11  }
0xc4: {  	s0 =	sor.u32 s1, s0  }
0xc5: {  	s0 =	sadd.s32 $0x8F2B, s0  }
0xc6: {  	[sflag:s0] =	ssyncadd.remote.s32 $0x1  }
0xc7: {  	_ =	sfence.sel $0xFFFF  }
0xc8: {  	[dreg:$0x0] =	wrdreg $0xFFFFFFFF;
	(pc) =	sbr.abs _section_cstart, $3  }
0xc9: {  	[dreg:$0x1] =	wrdreg $0xFFFFFFFF  }
0xca: {  	_ =	task.clear_ibuf [dreg:s9], $0x2FFFF;
	_ =	strace $0x9FFFFFFF  }
0xcb: {  	(tm) =	ssettm $0x7FFFFFFF  }
tec
execute0_lowered:
.L_overlay_start_1:
0x0: {  	(tag) =	ssettag $0x1  }
0x1: {  	s1 =	rddreg [dreg:$0x0]  }
0x2: {  	s2 =	rddreg [dreg:$0x1]  }
0x3: {  	s5 =	rddreg [dreg:$0x2]  }
0x4: {  	s3 =	rddreg [dreg:$0x3]  }
0x5: {  	s0 =	rddreg [dreg:$0x4];
	s4 =	simm.s32 $0x0  }
0x6: {  	s6 =	srdreg.scid;
	s11 =	simm.s32 $0x10008;
	s12 =	simm.s32 $0x80  }
0x7: {  	s13 =	simm.s32 $0x10108;
	s14 =	simm.s32 $0x10188;
	s15 =	simm.s32 $0x10988  }
0x8: {  	s16 =	simm.s32 $0x0;
	[smem:$0x7FF] =	sst s4;
	s8 =	sand.u32 $0x1, s6  }
0x9: {  	s6 =	sadd.s32 $0x800, s5;
	s7 =	sadd.s32 $0x20800, s5;
	s9 =	ssub.s32 $0x2, s8  }
0xa: {  	s5 =	stileid.u32;
	_ =	strace $0x80000047;
	s10 =	sshrl.u32 s9, $0x1  }
0xb: {  	v0 =	vimm.s32 $0x10000;
	s31 =	sshll.u32 s5, $0x11;
	s8 =	sshll.u32 s8, $0x10;
	s9 =	ssub.s32 s9, s10  }
0xc: {  	v1 =	vimm.s32 $0x8000;
	v2 =	vimm.s32 $0x0;
	v3 =	vlaneseq.u32;
	s8 =	sor.u32 s8, s31;
	s10 =	simm.s32 $0x1;
	s9 =	smax.u32 s9, $0x1  }
.LBB2_1:
0xd: {  	[tilespmem:s4], [sflag:$0x1] =	stream.linear.gather [hbm4b:s2+s4], $0x10008, $0x38;
	[tilespmem:$0x10D88] =	vst v63  }
0xe: {  	_ =	swait.ge [sflag:s10], $0x10008  }
0xf: {  	[sflag:s10] =	ssyncset.done $0x0  }
0x10: {  	[sflag:s10] =	ssyncadd.s32 $0xFFFEFFF8  }
0x11: {  	v4 =	vld.idx.msk [tilespmem:v0+s4+$0x0], $0xffff;
	_ =	sdelay $0x4  }
0x12: {  	v4 =	vand.u32 $0x7FFFFFFF, v4  }
0x13: {  	(erf) = vrcp.f32 v4;
	_ =	sdelay $0x8  }
0x14: {  	s17 =	simm.s32 $0x0;
	v5 =	vpop (erf)  }
.LBB2_2:
0x15: {  	s18 =	sshll.u32 s17, $0x7  }
0x16: {  	s19 =	sadd.s32 s8, s18  }
0x17: {  	s18 =	sshrl.u32 s19, $0x3  }
0x18: {  	s20 =	simm.s32 $0x0;
	s21 =	sadd.s32 s1, s18  }
0x19: {  	[tilespmem:s11], [sflag:$0x1] =	stream.linear.gather [hbm4b:s21+s20], $0x80, $0x38;
	[tilespmem:$0x10D88] =	vst v63  }
0x1a: {  	_ =	swait.ge [sflag:s10], $0x80  }
0x1b: {  	[sflag:s10] =	ssyncset.done $0x0  }
0x1c: {  	p0 =	por $0x1, $0x1;
	[sflag:s10] =	ssyncadd.s32 $0xFFFFFF80  }
.LBB2_3:
0x1d: {  	v6 =	vld [tilespmem:s20+$0x10008];
	_ =	sdelay $0x1  }
0x1e: {  	v7 =	vld [tilespmem:s20+$0x10018];
	_ =	sdelay $0x1  }
0x1f: {  	v11 =	vld [tilespmem:s20+$0x10028]  }
0x20: {  	v13 =	vld [tilespmem:s20+$0x10038];
	v8 =	vand.u32 $0x7FFFFFFF, v6  }
0x21: {  	v9 =	vmul.f32 v8, v5  }
0x22: {  	v10 =	vand.u32 $0x7FFFFFFF, v7  }
0x23: {  	v12 =	vmul.f32 v10, v5;
	v9 =	vfloor.f32 v9  }
0x24: {  	v14 =	vand.u32 $0x7FFFFFFF, v11;
	v9 =	vmul.f32 v9, v4  }
0x25: {  	v6 =	vand.u32 $0x80000000, v6;
	v15 =	vand.u32 $0x7FFFFFFF, v13;
	v62 =	vfloor.f32 v12  }
0x26: {  	v20 =	vmul.f32 v14, v5;
	v8 =	vsub.f32 v8, v9;
	v9 =	vmul.f32 v62, v4  }
0x27: {  	v63 =	vld.idx.msk [tilespmem:v1+s4+$0x0], $0xffff;
	v7 =	vand.u32 $0x80000000, v7;
	v28 =	vand.u32 $0x80000000, v11;
	v16 =	vmul.f32 v15, v5  }
0x28: {  	vm0 =	veq.f32 v8, v4;
	v9 =	vsub.f32 v10, v9;
	v10 =	vfloor.f32 v20  }
0x29: {  	v23 =	vfloor.f32 v16;
	v8 =	vsel vm0, $0x0, v8;
	v22 =	vmul.f32 v10, v4  }
0x2a: {  	v10 =	vmul.f32 v23, v4;
	v8 =	vand.u32 $0x7FFFFFFF, v8;
	vm10 =	veq.f32 v9, v4  }
0x2b: {  	v6 =	vor.u32 v6, v8;
	v21 =	vsel vm10, $0x0, v9;
	v9 =	vsub.f32 v14, v22  }
0x2c: {  	v31 =	vand.u32 $0x80000000, v13;
	v10 =	vsub.f32 v15, v10;
	vm11 =	vle.f32 v63, v6  }
0x2d: {  	v8 =	vand.u32 $0x7FFFFFFF, v21;
	v24 =	vsel vm11, $0x8000, v2;
	vm1 =	veq.f32 v9, v4  }
0x2e: {  	v7 =	vor.u32 v7, v8;
	vm13 =	veq.f32 v10, v4;
	v27 =	vsel vm1, $0x0, v9  }
0x2f: {  	vm12 =	vle.f32 v63, v7;
	v26 =	vor.u32 $0x4000, v24;
	v8 =	vand.u32 $0x7FFFFFFF, v27  }
0x30: {  	v30 =	vsel vm13, $0x0, v10;
	v25 =	vsel vm12, $0x8000, v2;
	v8 =	vor.u32 v28, v8  }
0x31: {  	v9 =	vand.u32 $0x7FFFFFFF, v30;
	v29 =	vor.u32 $0x4000, v25;
	vm14 =	vle.f32 v63, v8  }
0x32: {  	v9 =	vor.u32 v31, v9;
	v32 =	vsel vm14, $0x8000, v2  }
0x33: {  	vm15 =	vle.f32 v63, v9;
	v33 =	vor.u32 $0x4000, v32  }
0x34: {  	v17 =	vsel vm15, $0x8000, v2;
	v34 =	vld.idx.msk [tilespmem:v26+s4+$0x0], $0xffff  }
0x35: {  	v18 =	vor.u32 $0x4000, v17  }
0x36: {  	v19 =	vld.idx.msk [tilespmem:v29+s4+$0x0], $0xffff;
	_ =	sdelay $0x1  }
0x37: {  	v20 =	vld.idx.msk [tilespmem:v33+s4+$0x0], $0xffff  }
0x38: {  	vm4 =	vle.f32 v34, v6  }
0x39: {  	v35 =	vld.idx.msk [tilespmem:v18+s4+$0x0], $0xffff;
	v12 =	vsel vm4, v26, v24  }
0x3a: {  	v16 =	vor.u32 $0x2000, v12;
	vm5 =	vle.f32 v19, v7  }
0x3b: {  	v11 =	vsel vm5, v29, v25  }
0x3c: {  	v15 =	vor.u32 $0x2000, v11;
	vm6 =	vle.f32 v20, v8  }
0x3d: {  	v10 =	vsel vm6, v33, v32  }
0x3e: {  	vm7 =	vle.f32 v35, v9;
	v13 =	vor.u32 $0x2000, v10  }
0x3f: {  	v17 =	vsel vm7, v18, v17;
	v36 =	vld.idx.msk [tilespmem:v16+s4+$0x0], $0xffff  }
0x40: {  	v18 =	vor.u32 $0x2000, v17  }
0x41: {  	v37 =	vld.idx.msk [tilespmem:v15+s4+$0x0], $0xffff;
	_ =	sdelay $0x1  }
0x42: {  	v38 =	vld.idx.msk [tilespmem:v13+s4+$0x0], $0xffff  }
0x43: {  	vm8 =	vle.f32 v36, v6  }
0x44: {  	v39 =	vld.idx.msk [tilespmem:v18+s4+$0x0], $0xffff;
	v12 =	vsel vm8, v16, v12  }
0x45: {  	v16 =	vor.u32 $0x1000, v12;
	vm9 =	vle.f32 v37, v7  }
0x46: {  	v11 =	vsel vm9, v15, v11  }
0x47: {  	v15 =	vor.u32 $0x1000, v11;
	vm10 =	vle.f32 v38, v8  }
0x48: {  	v10 =	vsel vm10, v13, v10  }
0x49: {  	vm11 =	vle.f32 v39, v9;
	v13 =	vor.u32 $0x1000, v10  }
0x4a: {  	v17 =	vsel vm11, v18, v17;
	v40 =	vld.idx.msk [tilespmem:v16+s4+$0x0], $0xffff  }
0x4b: {  	v18 =	vor.u32 $0x1000, v17  }
0x4c: {  	v41 =	vld.idx.msk [tilespmem:v15+s4+$0x0], $0xffff;
	_ =	sdelay $0x1  }
0x4d: {  	v42 =	vld.idx.msk [tilespmem:v13+s4+$0x0], $0xffff  }
0x4e: {  	vm12 =	vle.f32 v40, v6  }
0x4f: {  	v43 =	vld.idx.msk [tilespmem:v18+s4+$0x0], $0xffff;
	v12 =	vsel vm12, v16, v12  }
0x50: {  	v16 =	vmin.u32 v12, $0xF7FF;
	vm13 =	vle.f32 v41, v7  }
0x51: {  	v16 =	vadd.s32 $0x800, v16;
	v11 =	vsel vm13, v15, v11  }
0x52: {  	v15 =	vmin.u32 v11, $0xF7FF;
	vm14 =	vle.f32 v42, v8  }
0x53: {  	v15 =	vadd.s32 $0x800, v15;
	v10 =	vsel vm14, v13, v10  }
0x54: {  	vm15 =	vle.f32 v43, v9;
	v13 =	vmin.u32 v10, $0xF7FF  }
0x55: {  	v14 =	vsel vm15, v18, v17;
	v13 =	vadd.s32 $0x800, v13  }
0x56: {  	v18 =	vmin.u32 v14, $0xF7FF;
	v44 =	vld.idx.msk [tilespmem:v16+s4+$0x0], $0xffff  }
0x57: {  	v18 =	vadd.s32 $0x800, v18  }
0x58: {  	v45 =	vld.idx.msk [tilespmem:v15+s4+$0x0], $0xffff;
	_ =	sdelay $0x1  }
0x59: {  	v46 =	vld.idx.msk [tilespmem:v13+s4+$0x0], $0xffff  }
0x5a: {  	vm4 =	vle.f32 v44, v6  }
0x5b: {  	v47 =	vld.idx.msk [tilespmem:v18+s4+$0x0], $0xffff;
	v12 =	vsel vm4, v16, v12  }
0x5c: {  	v48 =	vmin.u32 v12, $0xFBFF;
	vm5 =	vle.f32 v45, v7  }
0x5d: {  	v17 =	vadd.s32 $0x400, v48;
	v11 =	vsel vm5, v15, v11  }
0x5e: {  	v15 =	vmin.u32 v11, $0xFBFF;
	vm6 =	vle.f32 v46, v8  }
0x5f: {  	v15 =	vadd.s32 $0x400, v15;
	v10 =	vsel vm6, v13, v10  }
0x60: {  	vm7 =	vle.f32 v47, v9;
	v13 =	vmin.u32 v10, $0xFBFF  }
0x61: {  	v14 =	vsel vm7, v18, v14;
	v13 =	vadd.s32 $0x400, v13  }
0x62: {  	v18 =	vmin.u32 v14, $0xFBFF;
	v49 =	vld.idx.msk [tilespmem:v17+s4+$0x0], $0xffff  }
0x63: {  	v18 =	vadd.s32 $0x400, v18  }
0x64: {  	v50 =	vld.idx.msk [tilespmem:v15+s4+$0x0], $0xffff;
	_ =	sdelay $0x1  }
0x65: {  	v51 =	vld.idx.msk [tilespmem:v13+s4+$0x0], $0xffff  }
0x66: {  	vm8 =	vle.f32 v49, v6  }
0x67: {  	v52 =	vld.idx.msk [tilespmem:v18+s4+$0x0], $0xffff;
	v12 =	vsel vm8, v17, v12  }
0x68: {  	v17 =	vmin.u32 v12, $0xFDFF;
	vm9 =	vle.f32 v50, v7  }
0x69: {  	v17 =	vadd.s32 $0x200, v17;
	v11 =	vsel vm9, v15, v11  }
0x6a: {  	v15 =	vmin.u32 v11, $0xFDFF;
	vm10 =	vle.f32 v51, v8  }
0x6b: {  	v15 =	vadd.s32 $0x200, v15;
	v10 =	vsel vm10, v13, v10  }
0x6c: {  	vm11 =	vle.f32 v52, v9;
	v13 =	vmin.u32 v10, $0xFDFF  }
0x6d: {  	v14 =	vsel vm11, v18, v14;
	v13 =	vadd.s32 $0x200, v13  }
0x6e: {  	v18 =	vmin.u32 v14, $0xFDFF;
	v53 =	vld.idx.msk [tilespmem:v17+s4+$0x0], $0xffff  }
0x6f: {  	v18 =	vadd.s32 $0x200, v18  }
0x70: {  	v54 =	vld.idx.msk [tilespmem:v15+s4+$0x0], $0xffff;
	_ =	sdelay $0x1  }
0x71: {  	v55 =	vld.idx.msk [tilespmem:v13+s4+$0x0], $0xffff  }
0x72: {  	vm12 =	vle.f32 v53, v6  }
0x73: {  	v56 =	vld.idx.msk [tilespmem:v18+s4+$0x0], $0xffff;
	v12 =	vsel vm12, v17, v12  }
0x74: {  	v17 =	vmin.u32 v12, $0xFEFF;
	vm13 =	vle.f32 v54, v7  }
0x75: {  	v17 =	vadd.s32 $0x100, v17;
	v11 =	vsel vm13, v15, v11  }
0x76: {  	v15 =	vmin.u32 v11, $0xFEFF;
	vm14 =	vle.f32 v55, v8  }
0x77: {  	v15 =	vadd.s32 $0x100, v15;
	v10 =	vsel vm14, v13, v10  }
0x78: {  	vm15 =	vle.f32 v56, v9;
	v13 =	vmin.u32 v10, $0xFEFF  }
0x79: {  	v14 =	vsel vm15, v18, v14;
	v13 =	vadd.s32 $0x100, v13  }
0x7a: {  	v18 =	vmin.u32 v14, $0xFEFF;
	v57 =	vld.idx.msk [tilespmem:v17+s4+$0x0], $0xffff  }
0x7b: {  	v18 =	vadd.s32 $0x100, v18  }
0x7c: {  	v58 =	vld.idx.msk [tilespmem:v15+s4+$0x0], $0xffff;
	_ =	sdelay $0x1  }
0x7d: {  	v59 =	vld.idx.msk [tilespmem:v13+s4+$0x0], $0xffff  }
0x7e: {  	vm4 =	vle.f32 v57, v6  }
0x7f: {  	v60 =	vld.idx.msk [tilespmem:v18+s4+$0x0], $0xffff;
	v12 =	vsel vm4, v17, v12  }
0x80: {  	v17 =	vmin.u32 v12, $0xFF7F;
	vm5 =	vle.f32 v58, v7  }
0x81: {  	v17 =	vadd.s32 $0x80, v17;
	v11 =	vsel vm5, v15, v11  }
0x82: {  	v15 =	vmin.u32 v11, $0xFF7F;
	vm6 =	vle.f32 v59, v8  }
0x83: {  	v15 =	vadd.s32 $0x80, v15;
	v10 =	vsel vm6, v13, v10  }
0x84: {  	vm7 =	vle.f32 v60, v9;
	v13 =	vmin.u32 v10, $0xFF7F  }
0x85: {  	v14 =	vsel vm7, v18, v14;
	v13 =	vadd.s32 $0x80, v13  }
0x86: {  	v18 =	vmin.u32 v14, $0xFF7F;
	v61 =	vld.idx.msk [tilespmem:v17+s4+$0x0], $0xffff  }
0x87: {  	v18 =	vadd.s32 $0x80, v18  }
0x88: {  	v62 =	vld.idx.msk [tilespmem:v15+s4+$0x0], $0xffff;
	_ =	sdelay $0x1  }
0x89: {  	v63 =	vld.idx.msk [tilespmem:v13+s4+$0x0], $0xffff  }
0x8a: {  	vm8 =	vle.f32 v61, v6  }
0x8b: {  	v24 =	vld.idx.msk [tilespmem:v18+s4+$0x0], $0xffff;
	v12 =	vsel vm8, v17, v12  }
0x8c: {  	v17 =	vmin.u32 v12, $0xFFBF;
	vm9 =	vle.f32 v62, v7  }
0x8d: {  	v17 =	vadd.s32 $0x40, v17;
	v11 =	vsel vm9, v15, v11  }
0x8e: {  	v15 =	vmin.u32 v11, $0xFFBF;
	vm10 =	vle.f32 v63, v8  }
0x8f: {  	v15 =	vadd.s32 $0x40, v15;
	v10 =	vsel vm10, v13, v10  }
0x90: {  	vm11 =	vle.f32 v24, v9;
	v13 =	vmin.u32 v10, $0xFFBF  }
0x91: {  	v14 =	vsel vm11, v18, v14;
	v13 =	vadd.s32 $0x40, v13  }
0x92: {  	v18 =	vmin.u32 v14, $0xFFBF;
	v25 =	vld.idx.msk [tilespmem:v17+s4+$0x0], $0xffff  }
0x93: {  	v18 =	vadd.s32 $0x40, v18  }
0x94: {  	v26 =	vld.idx.msk [tilespmem:v15+s4+$0x0], $0xffff;
	_ =	sdelay $0x1  }
0x95: {  	v27 =	vld.idx.msk [tilespmem:v13+s4+$0x0], $0xffff  }
0x96: {  	vm12 =	vle.f32 v25, v6  }
0x97: {  	v28 =	vld.idx.msk [tilespmem:v18+s4+$0x0], $0xffff;
	v12 =	vsel vm12, v17, v12  }
0x98: {  	v17 =	vmin.u32 v12, $0xFFDF;
	vm13 =	vle.f32 v26, v7  }
0x99: {  	v17 =	vadd.s32 $0x20, v17;
	v11 =	vsel vm13, v15, v11  }
0x9a: {  	v15 =	vmin.u32 v11, $0xFFDF;
	vm14 =	vle.f32 v27, v8  }
0x9b: {  	v15 =	vadd.s32 $0x20, v15;
	v10 =	vsel vm14, v13, v10  }
0x9c: {  	vm15 =	vle.f32 v28, v9;
	v13 =	vmin.u32 v10, $0xFFDF  }
0x9d: {  	v14 =	vsel vm15, v18, v14;
	v13 =	vadd.s32 $0x20, v13  }
0x9e: {  	v18 =	vmin.u32 v14, $0xFFDF;
	v29 =	vld.idx.msk [tilespmem:v17+s4+$0x0], $0xffff  }
0x9f: {  	v18 =	vadd.s32 $0x20, v18  }
0xa0: {  	v30 =	vld.idx.msk [tilespmem:v15+s4+$0x0], $0xffff;
	_ =	sdelay $0x1  }
0xa1: {  	v31 =	vld.idx.msk [tilespmem:v13+s4+$0x0], $0xffff  }
0xa2: {  	vm4 =	vle.f32 v29, v6  }
0xa3: {  	v32 =	vld.idx.msk [tilespmem:v18+s4+$0x0], $0xffff;
	v12 =	vsel vm4, v17, v12  }
0xa4: {  	v17 =	vmin.u32 v12, $0xFFEF;
	vm5 =	vle.f32 v30, v7  }
0xa5: {  	v17 =	vadd.s32 $0x10, v17;
	v11 =	vsel vm5, v15, v11  }
0xa6: {  	v15 =	vmin.u32 v11, $0xFFEF;
	vm6 =	vle.f32 v31, v8  }
0xa7: {  	v15 =	vadd.s32 $0x10, v15;
	v10 =	vsel vm6, v13, v10  }
0xa8: {  	vm7 =	vle.f32 v32, v9;
	v13 =	vmin.u32 v10, $0xFFEF  }
0xa9: {  	v14 =	vsel vm7, v18, v14;
	v13 =	vadd.s32 $0x10, v13  }
0xaa: {  	v18 =	vmin.u32 v14, $0xFFEF;
	v33 =	vld.idx.msk [tilespmem:v17+s4+$0x0], $0xffff  }
0xab: {  	v18 =	vadd.s32 $0x10, v18  }
0xac: {  	v34 =	vld.idx.msk [tilespmem:v15+s4+$0x0], $0xffff;
	_ =	sdelay $0x1  }
0xad: {  	v35 =	vld.idx.msk [tilespmem:v13+s4+$0x0], $0xffff  }
0xae: {  	vm8 =	vle.f32 v33, v6  }
0xaf: {  	v36 =	vld.idx.msk [tilespmem:v18+s4+$0x0], $0xffff;
	v12 =	vsel vm8, v17, v12  }
0xb0: {  	v17 =	vmin.u32 v12, $0xFFF7;
	vm9 =	vle.f32 v34, v7  }
0xb1: {  	v17 =	vadd.s32 $0x8, v17;
	v11 =	vsel vm9, v15, v11  }
0xb2: {  	v15 =	vmin.u32 v11, $0xFFF7;
	vm10 =	vle.f32 v35, v8  }
0xb3: {  	v15 =	vadd.s32 $0x8, v15;
	v10 =	vsel vm10, v13, v10  }
0xb4: {  	vm11 =	vle.f32 v36, v9;
	v13 =	vmin.u32 v10, $0xFFF7  }
0xb5: {  	v14 =	vsel vm11, v18, v14;
	v13 =	vadd.s32 $0x8, v13  }
0xb6: {  	v18 =	vmin.u32 v14, $0xFFF7;
	v37 =	vld.idx.msk [tilespmem:v17+s4+$0x0], $0xffff  }
0xb7: {  	v18 =	vadd.s32 $0x8, v18  }
0xb8: {  	v38 =	vld.idx.msk [tilespmem:v15+s4+$0x0], $0xffff;
	_ =	sdelay $0x1  }
0xb9: {  	v39 =	vld.idx.msk [tilespmem:v13+s4+$0x0], $0xffff  }
0xba: {  	vm12 =	vle.f32 v37, v6  }
0xbb: {  	v40 =	vld.idx.msk [tilespmem:v18+s4+$0x0], $0xffff;
	v12 =	vsel vm12, v17, v12  }
0xbc: {  	v17 =	vmin.u32 v12, $0xFFFB;
	vm13 =	vle.f32 v38, v7  }
0xbd: {  	v17 =	vadd.s32 $0x4, v17;
	v11 =	vsel vm13, v15, v11  }
0xbe: {  	v15 =	vmin.u32 v11, $0xFFFB;
	vm14 =	vle.f32 v39, v8  }
0xbf: {  	v15 =	vadd.s32 $0x4, v15;
	v10 =	vsel vm14, v13, v10  }
0xc0: {  	vm15 =	vle.f32 v40, v9;
	v13 =	vmin.u32 v10, $0xFFFB  }
0xc1: {  	v14 =	vsel vm15, v18, v14;
	v13 =	vadd.s32 $0x4, v13  }
0xc2: {  	v18 =	vmin.u32 v14, $0xFFFB;
	v41 =	vld.idx.msk [tilespmem:v17+s4+$0x0], $0xffff  }
0xc3: {  	v18 =	vadd.s32 $0x4, v18  }
0xc4: {  	v42 =	vld.idx.msk [tilespmem:v15+s4+$0x0], $0xffff;
	_ =	sdelay $0x1  }
0xc5: {  	v43 =	vld.idx.msk [tilespmem:v13+s4+$0x0], $0xffff  }
0xc6: {  	vm4 =	vle.f32 v41, v6  }
0xc7: {  	v44 =	vld.idx.msk [tilespmem:v18+s4+$0x0], $0xffff;
	v12 =	vsel vm4, v17, v12  }
0xc8: {  	v17 =	vmin.u32 v12, $0xFFFD;
	vm5 =	vle.f32 v42, v7  }
0xc9: {  	v17 =	vadd.s32 $0x2, v17;
	v11 =	vsel vm5, v15, v11  }
0xca: {  	v15 =	vmin.u32 v11, $0xFFFD;
	vm6 =	vle.f32 v43, v8  }
0xcb: {  	v15 =	vadd.s32 $0x2, v15;
	v10 =	vsel vm6, v13, v10  }
0xcc: {  	vm7 =	vle.f32 v44, v9;
	v13 =	vmin.u32 v10, $0xFFFD  }
0xcd: {  	v14 =	vsel vm7, v18, v14;
	v13 =	vadd.s32 $0x2, v13  }
0xce: {  	v18 =	vmin.u32 v14, $0xFFFD;
	v45 =	vld.idx.msk [tilespmem:v17+s4+$0x0], $0xffff  }
0xcf: {  	v18 =	vadd.s32 $0x2, v18  }
0xd0: {  	v46 =	vld.idx.msk [tilespmem:v15+s4+$0x0], $0xffff;
	_ =	sdelay $0x1  }
0xd1: {  	v47 =	vld.idx.msk [tilespmem:v13+s4+$0x0], $0xffff  }
0xd2: {  	vm8 =	vle.f32 v45, v6  }
0xd3: {  	v48 =	vld.idx.msk [tilespmem:v18+s4+$0x0], $0xffff;
	v12 =	vsel vm8, v17, v12  }
0xd4: {  	v17 =	vmin.u32 v12, $0xFFFE;
	vm9 =	vle.f32 v46, v7  }
0xd5: {  	v17 =	vadd.s32 $0x1, v17;
	v11 =	vsel vm9, v15, v11  }
0xd6: {  	v15 =	vmin.u32 v11, $0xFFFE;
	vm10 =	vle.f32 v47, v8  }
0xd7: {  	v15 =	vadd.s32 $0x1, v15;
	v10 =	vsel vm10, v13, v10  }
0xd8: {  	vm11 =	vle.f32 v48, v9;
	v13 =	vmin.u32 v10, $0xFFFE  }
0xd9: {  	v14 =	vsel vm11, v18, v14;
	v13 =	vadd.s32 $0x1, v13  }
0xda: {  	v18 =	vmin.u32 v14, $0xFFFE;
	v49 =	vld.idx.msk [tilespmem:v17+s4+$0x0], $0xffff  }
0xdb: {  	v18 =	vadd.s32 $0x1, v18  }
0xdc: {  	v50 =	vld.idx.msk [tilespmem:v15+s4+$0x0], $0xffff;
	_ =	sdelay $0x1  }
0xdd: {  	v51 =	vld.idx.msk [tilespmem:v13+s4+$0x0], $0xffff  }
0xde: {  	vm12 =	vle.f32 v49, v6  }
0xdf: {  	v52 =	vld.idx.msk [tilespmem:v18+s4+$0x0], $0xffff;
	v12 =	vsel vm12, v17, v12  }
0xe0: {  	v17 =	vadd.s32 $0x1, v12;
	vm13 =	vle.f32 v50, v7  }
0xe1: {  	v11 =	vsel vm13, v15, v11  }
0xe2: {  	v15 =	vadd.s32 $0x1, v11;
	vm14 =	vle.f32 v51, v8  }
0xe3: {  	v10 =	vsel vm14, v13, v10  }
0xe4: {  	vm15 =	vle.f32 v52, v9;
	v53 =	vld.idx.msk [tilespmem:v12+s4+$0x0], $0xffff;
	v54 =	vadd.s32 $0x1, v10  }
0xe5: {  	v14 =	vsel vm15, v18, v14;
	v55 =	vld.idx.msk [tilespmem:v17+s4+$0x0], $0xffff  }
0xe6: {  	v18 =	vadd.s32 $0x1, v14;
	v56 =	vld.idx.msk [tilespmem:v11+s4+$0x0], $0xffff  }
0xe7: {  	v15 =	vld.idx.msk [tilespmem:v15+s4+$0x0], $0xffff  }
0xe8: {  	v57 =	vld.idx.msk [tilespmem:v10+s4+$0x0], $0xffff  }
0xe9: {  	v19 =	vld.idx.msk [tilespmem:v54+s4+$0x0], $0xffff  }
0xea: {  	v21 =	vld.idx.msk [tilespmem:v14+s4+$0x0], $0xffff;
	v16 =	vsub.f32 v55, v53  }
0xeb: {  	v18 =	vld.idx.msk [tilespmem:v18+s4+$0x0], $0xffff  }
0xec: {  	(erf) = vrcp.f32 v16;
	v15 =	vsub.f32 v15, v56;
	_ =	sdelay $0x1  }
0xed: {  	(erf) = vrcp.f32 v15;
	v58 =	vsub.f32 v19, v57;
	_ =	sdelay $0x1  }
0xee: {  	v59 =	vsub.f32 v18, v21;
	(erf) = vrcp.f32 v58;
	_ =	sdelay $0x1  }
0xef: {  	(erf) = vrcp.f32 v59;
	_ =	sdelay $0x1  }
0xf0: {  	v6 =	vsub.f32 v6, v53  }
0xf1: {  	v60 =	vpop (erf)  }
0xf2: {  	v7 =	vsub.f32 v7, v56;
	v6 =	vmul.f32 v60, v6  }
0xf3: {  	[tilespmem:s20+$0x10108] =	vst v12;
	v61 =	vpop (erf)  }
0xf4: {  	[tilespmem:s20+$0x10088] =	vst v6;
	v6 =	vmul.f32 v61, v7;
	v7 =	vsub.f32 v8, v57  }
0xf5: {  	p1 =	por p0, p0;
	[tilespmem:s20+$0x10118] =	vst v11;
	v62 =	vpop (erf)  }
.Ltmp0:
0xf6: {  	[tilespmem:s20+$0x10098] =	vst v6;
	v6 =	vmul.f32 v62, v7;
	v7 =	vsub.f32 v9, v21;
	(pc) =	sbr.rel @p1 .LBB2_3-.Ltmp0, $4  }
0xf7: {  	[tilespmem:s20+$0x10128] =	vst v10;
	v63 =	vpop (erf)  }
0xf8: {  	[tilespmem:s20+$0x100A8] =	vst v6;
	v6 =	vmul.f32 v63, v7  }
0xf9: {  	[tilespmem:s20+$0x10138] =	vst v14  }
0xfa: {  	p0 =	por $0x0, $0x0;
	[tilespmem:s20+$0x100B8] =	vst v6;
	s20 =	simm.s32 $0x40  }
0xfb: {  	[tilespmem:s14], [sflag:$0x1] =	stream.indirect.gather [hbm4b:s6+s12], $0x10, s13, s12, $0xb8;
	[tilespmem:$0x10D88] =	vst v63  }
0xfc: {  	_ =	swait.ge [sflag:s10], $0x800  }
0xfd: {  	s20 =	simm.s32 $0x0;
	[sflag:s10] =	ssyncset.done $0x0  }
0xfe: {  	s21 =	simm.s32 $0x10098;
	v6 =	vor.u32 s20, v3;
	[sflag:s10] =	ssyncadd.s32 $0xFFFFF800  }
0xff: {  	v8 =	vshll.u32 v6, $0x4;
	v7 =	vld [tilespmem:s21+$0xFFFFFFF0]  }
0x100: {  	v9 =	vor.u32 $0x3, v8;
	_ =	sdelay $0x1  }
0x101: {  	v10 =	vor.u32 $0x6, v8;
	_ =	sdelay $0x1  }
0x102: {  	v13 =	vor.u32 $0x9, v8;
	v14 =	vld.idx.msk [tilespmem:v8+s14+$0x0], $0xffff;
	v15 =	vsub.f32 $1.000000000e+00, v7  }
0x103: {  	v9 =	vld.idx.msk [tilespmem:v9+s14+$0x0], $0xffff;
	v16 =	vmul.f32 v7, v7  }
0x104: {  	v11 =	vmul.f32 $3.000000000e+00, v7;
	v17 =	vmul.f32 v15, v15  }
0x105: {  	v19 =	vld.idx.msk [tilespmem:v10+s14+$0x0], $0xffff;
	v18 =	vmul.f32 $3.000000000e+00, v16  }
0x106: {  	v12 =	vmul.f32 v17, v15;
	v11 =	vmul.f32 v17, v11  }
0x107: {  	v13 =	vld.idx.msk [tilespmem:v13+s14+$0x0], $0xffff;
	v10 =	vmul.f32 v18, v15  }
0x108: {  	v14 =	vmul.f32 v12, v14;
	v15 =	vmul.f32 v11, v9  }
0x109: {  	s24 =	simm.s32 $0x10;
	v9 =	vmul.f32 v16, v7  }
0x10a: {  	v18 =	vld [tilespmem:s21+$0x0];
	v7 =	vor.u32 s24, v3;
	v14 =	vadd.f32 v15, v14;
	v15 =	vmul.f32 v19, v10  }
0x10b: {  	v20 =	vshll.u32 v7, $0x4;
	v19 =	vshll.u32 v6, $0x3  }
0x10c: {  	v6 =	vor.u32 $0xA, v8;
	v13 =	vmul.f32 v13, v9;
	v14 =	vadd.f32 v14, v15  }
0x10d: {  	v15 =	vor.u32 $0x1, v8  }
0x10e: {  	s26 =	simm.s32 $0x100B8;
	v17 =	vor.u32 $0x4, v8;
	v13 =	vadd.f32 v14, v13  }
0x10f: {  	s25 =	simm.s32 $0x20;
	s28 =	simm.s32 $0x30;
	v30 =	vld [tilespmem:s26+$0xFFFFFFF0];
	v16 =	vor.u32 $0x3, v20;
	v14 =	vsub.f32 $1.000000000e+00, v18  }
0x110: {  	s30 =	simm.s32 $0x40;
	v27 =	vor.u32 s25, v3;
	v44 =	vor.u32 s28, v3;
	v23 =	vor.u32 $0x7, v8;
	v21 =	vld.idx.msk [tilespmem:v20+s14+$0x0], $0xffff;
	[tilespmem:v19+s15+$0x0] =	vst.idx.msk $0xffff, v13  }
0x111: {  	v53 =	vor.u32 s30, v3;
	v24 =	vmul.f32 $3.000000000e+00, v18;
	v13 =	vmul.f32 v14, v14;
	v6 =	vld.idx.msk [tilespmem:v6+s14+$0x0], $0xffff  }
0x112: {  	v33 =	vshll.u32 v27, $0x4;
	v39 =	vor.u32 $0x5, v8;
	v37 =	vor.u32 $0xB, v8;
	v15 =	vld.idx.msk [tilespmem:v15+s14+$0x0], $0xffff  }
0x113: {  	v31 =	vor.u32 $0x6, v33;
	v28 =	vmul.f32 v13, v14;
	v25 =	vmul.f32 v13, v24;
	v13 =	vld.idx.msk [tilespmem:v17+s14+$0x0], $0xffff  }
0x114: {  	v41 =	vor.u32 $0x2, v8;
	v45 =	vor.u32 $0x4, v33;
	v32 =	vmul.f32 v30, v30;
	v16 =	vld.idx.msk [tilespmem:v16+s14+$0x0], $0xffff  }
0x115: {  	v34 =	vsub.f32 $1.000000000e+00, v30;
	v23 =	vld.idx.msk [tilespmem:v23+s14+$0x0], $0xffff;
	v17 =	vmul.f32 v28, v21;
	v21 =	vor.u32 $0x3, v33  }
0x116: {  	v42 =	vmul.f32 $3.000000000e+00, v30;
	v43 =	vmul.f32 $3.000000000e+00, v32;
	v29 =	vor.u32 $0x9, v20  }
0x117: {  	v62 =	vor.u32 $0x1, v20;
	v48 =	vor.u32 $0x5, v20;
	v35 =	vmul.f32 v6, v9  }
0x118: {  	v49 =	vor.u32 $0x4, v20;
	v6 =	vmul.f32 v15, v12;
	v13 =	vmul.f32 v13, v11  }
0x119: {  	v38 =	vld.idx.msk [tilespmem:v33+s14+$0x0], $0xffff;
	v50 =	vor.u32 $0x8, v20;
	v16 =	vmul.f32 v25, v16;
	v15 =	vor.u32 $0x9, v33  }
0x11a: {  	v24 =	vor.u32 $0x6, v20;
	v23 =	vmul.f32 v23, v10;
	v13 =	vadd.f32 v13, v6;
	v21 =	vld.idx.msk [tilespmem:v21+s14+$0x0], $0xffff  }
0x11b: {  	v40 =	vadd.f32 v16, v17;
	v17 =	vld [tilespmem:s26+$0x0];
	v6 =	vmul.f32 v32, v30;
	v30 =	vmul.f32 v34, v34  }
0x11c: {  	v22 =	vmul.f32 v18, v18;
	v36 =	vor.u32 $0x1, v19;
	v13 =	vadd.f32 v23, v13;
	v23 =	vld.idx.msk [tilespmem:v31+s14+$0x0], $0xffff  }
0x11d: {  	v51 =	vor.u32 $0x2, v20;
	v31 =	vmul.f32 v30, v34;
	v32 =	vmul.f32 v30, v42  }
0x11e: {  	v8 =	vor.u32 $0x8, v8;
	v26 =	vmul.f32 $3.000000000e+00, v22;
	v15 =	vld.idx.msk [tilespmem:v15+s14+$0x0], $0xffff;
	v34 =	vmul.f32 v43, v34  }
0x11f: {  	v58 =	vld.idx.msk [tilespmem:v24+s14+$0x0], $0xffff;
	v13 =	vadd.f32 v35, v13;
	v30 =	vmul.f32 v31, v38;
	v21 =	vmul.f32 v32, v21  }
0x120: {  	v29 =	vld.idx.msk [tilespmem:v29+s14+$0x0], $0xffff;
	v16 =	vsub.f32 $1.000000000e+00, v17;
	v24 =	vmul.f32 v17, v17;
	v35 =	vshll.u32 v44, $0x4  }
0x121: {  	v59 =	vor.u32 $0x3, v35;
	[tilespmem:v36+s15+$0x0] =	vst.idx.msk $0xffff, v13;
	v13 =	vadd.f32 v21, v30;
	v21 =	vmul.f32 v23, v34  }
0x122: {  	v43 =	vor.u32 $0x5, v33;
	v36 =	vshll.u32 v27, $0x3;
	v23 =	vld.idx.msk [tilespmem:v37+s14+$0x0], $0xffff;
	v30 =	vmul.f32 v26, v14  }
0x123: {  	v14 =	vmul.f32 v15, v6;
	v15 =	vor.u32 $0x7, v33;
	v39 =	vld.idx.msk [tilespmem:v39+s14+$0x0], $0xffff;
	v13 =	vadd.f32 v13, v21  }
0x124: {  	v27 =	vor.u32 $0x1, v33;
	v37 =	vmul.f32 v22, v18;
	v61 =	vld.idx.msk [tilespmem:v8+s14+$0x0], $0xffff;
	v18 =	vmul.f32 v58, v30  }
0x125: {  	v42 =	vor.u32 $0x8, v33;
	v38 =	vshll.u32 v7, $0x3;
	v21 =	vld.idx.msk [tilespmem:v35+s14+$0x0], $0xffff;
	v7 =	vadd.f32 v13, v14  }
0x126: {  	v26 =	vor.u32 $0xA, v33;
	v22 =	vld.idx.msk [tilespmem:v59+s14+$0x0], $0xffff;
	v14 =	vadd.f32 v40, v18;
	v18 =	vmul.f32 v29, v37  }
0x127: {  	v46 =	vmul.f32 v16, v16;
	v47 =	vmul.f32 $3.000000000e+00, v24;
	v13 =	vld.idx.msk [tilespmem:v41+s14+$0x0], $0xffff;
	v29 =	vor.u32 $0x7, v20;
	[tilespmem:v36+s15+$0x0] =	vst.idx.msk $0xffff, v7  }
0x128: {  	v60 =	vor.u32 $0x9, v35;
	v8 =	vadd.f32 v14, v18;
	v14 =	vld.idx.msk [tilespmem:v15+s14+$0x0], $0xffff;
	v15 =	vmul.f32 $3.000000000e+00, v17  }
0x129: {  	v40 =	vor.u32 $0x6, v35;
	v11 =	vmul.f32 v39, v11;
	v7 =	vmul.f32 v46, v16;
	v27 =	vld.idx.msk [tilespmem:v27+s14+$0x0], $0xffff  }
0x12a: {  	v10 =	vmul.f32 v61, v10;
	v63 =	vld.idx.msk [tilespmem:v45+s14+$0x0], $0xffff;
	[tilespmem:v38+s15+$0x0] =	vst.idx.msk $0xffff, v8;
	v8 =	vmul.f32 v46, v15  }
0x12b: {  	v59 =	vmul.f32 v23, v9;
	v26 =	vld.idx.msk [tilespmem:v26+s14+$0x0], $0xffff;
	v21 =	vmul.f32 v7, v21;
	v15 =	vor.u32 $0xA, v20  }
0x12c: {  	s31 =	simm.s32 $0x50;
	v12 =	vmul.f32 v13, v12;
	v13 =	vld.idx.msk [tilespmem:v29+s14+$0x0], $0xffff;
	v29 =	vor.u32 $0xB, v20;
	v20 =	vmul.f32 v8, v22  }
0x12d: {  	v23 =	vor.u32 s31, v3;
	v18 =	vor.u32 $0x1, v36;
	v45 =	vor.u32 $0x2, v19;
	v22 =	vld.idx.msk [tilespmem:v62+s14+$0x0], $0xffff  }
0x12e: {  	s29 =	simm.s32 $0x100D8;
	v17 =	vmul.f32 v24, v17;
	v46 =	vor.u32 $0xB, v33;
	v52 =	vadd.f32 v20, v21;
	v20 =	vld.idx.msk [tilespmem:v49+s14+$0x0], $0xffff  }
0x12f: {  	v12 =	vadd.f32 v11, v12;
	v27 =	vmul.f32 v27, v31;
	v39 =	vmul.f32 v63, v32;
	v21 =	vld [tilespmem:s29+$0xFFFFFFF0]  }
0x130: {  	v11 =	vshll.u32 v53, $0x4;
	v26 =	vmul.f32 v26, v6;
	v14 =	vmul.f32 v14, v34;
	v15 =	vld.idx.msk [tilespmem:v15+s14+$0x0], $0xffff  }
0x131: {  	v54 =	vor.u32 $0x3, v11;
	v55 =	vor.u32 $0x6, v11;
	v27 =	vadd.f32 v39, v27  }
0x132: {  	v41 =	vld.idx.msk [tilespmem:v60+s14+$0x0], $0xffff;
	v56 =	vor.u32 $0x9, v11;
	v49 =	vor.u32 $0x2, v33;
	v33 =	vor.u32 $0x1, v38  }
0x133: {  	v22 =	vmul.f32 v22, v28;
	v14 =	vadd.f32 v14, v27;
	v20 =	vmul.f32 v20, v25  }
0x134: {  	v13 =	vmul.f32 v13, v30;
	v39 =	vadd.f32 v10, v12;
	v58 =	vmul.f32 v21, v21  }
0x135: {  	v40 =	vld.idx.msk [tilespmem:v40+s14+$0x0], $0xffff;
	v14 =	vadd.f32 v26, v14;
	v12 =	vmul.f32 v15, v37;
	v10 =	vadd.f32 v20, v22  }
0x136: {  	v60 =	vld.idx.msk [tilespmem:v11+s14+$0x0], $0xffff;
	v15 =	vmul.f32 $3.000000000e+00, v21;
	v9 =	vmul.f32 v58, v21;
	v21 =	vsub.f32 $1.000000000e+00, v21  }
0x137: {  	v41 =	vmul.f32 v41, v17;
	v54 =	vld.idx.msk [tilespmem:v54+s14+$0x0], $0xffff;
	v10 =	vadd.f32 v13, v10;
	v13 =	vmul.f32 $3.000000000e+00, v58  }
0x138: {  	v19 =	vld [tilespmem:s29+$0x0];
	v57 =	vor.u32 $0x4, v11;
	v63 =	vor.u32 $0x7, v11;
	[tilespmem:v18+s15+$0x0] =	vst.idx.msk $0xffff, v14;
	v27 =	vmul.f32 v21, v21  }
0x139: {  	v55 =	vld.idx.msk [tilespmem:v55+s14+$0x0], $0xffff;
	v18 =	vmul.f32 v47, v16;
	v61 =	vadd.f32 v12, v10;
	v10 =	vmul.f32 v13, v21  }
0x13a: {  	v38 =	vor.u32 $0x2, v38;
	v56 =	vld.idx.msk [tilespmem:v56+s14+$0x0], $0xffff;
	v13 =	vmul.f32 v27, v21;
	v12 =	vmul.f32 v27, v15  }
0x13b: {  	v59 =	vadd.f32 v59, v39;
	v49 =	vld.idx.msk [tilespmem:v49+s14+$0x0], $0xffff;
	v24 =	vmul.f32 v40, v18;
	[tilespmem:v33+s15+$0x0] =	vst.idx.msk $0xffff, v61  }
0x13c: {  	v14 =	vshll.u32 v44, $0x3;
	v54 =	vmul.f32 v12, v54;
	v44 =	vld.idx.msk [tilespmem:v29+s14+$0x0], $0xffff;
	v29 =	vmul.f32 v13, v60  }
0x13d: {  	v39 =	vmul.f32 $3.000000000e+00, v19;
	v22 =	vsub.f32 $1.000000000e+00, v19;
	v15 =	vshll.u32 v23, $0x4;
	v47 =	vld.idx.msk [tilespmem:v51+s14+$0x0], $0xffff  }
0x13e: {  	v52 =	vadd.f32 v52, v24;
	v55 =	vmul.f32 v55, v10;
	v60 =	vld.idx.msk [tilespmem:v48+s14+$0x0], $0xffff;
	v29 =	vadd.f32 v54, v29  }
0x13f: {  	v20 =	vmul.f32 v19, v19;
	v16 =	vshll.u32 v53, $0x3;
	v43 =	vld.idx.msk [tilespmem:v43+s14+$0x0], $0xffff;
	v61 =	vor.u32 $0x3, v15  }
0x140: {  	v62 =	vmul.f32 v56, v9;
	v52 =	vadd.f32 v52, v41;
	v50 =	vld.idx.msk [tilespmem:v50+s14+$0x0], $0xffff;
	v29 =	vadd.f32 v29, v55  }
0x141: {  	v53 =	vor.u32 $0x1, v11;
	v58 =	vmul.f32 v22, v22;
	v21 =	vld.idx.msk [tilespmem:v46+s14+$0x0], $0xffff;
	v46 =	vor.u32 $0xA, v11  }
0x142: {  	v26 =	vmul.f32 $3.000000000e+00, v20;
	v56 =	vld.idx.msk [tilespmem:v42+s14+$0x0], $0xffff;
	v24 =	vor.u32 $0x5, v35;
	[tilespmem:v14+s15+$0x0] =	vst.idx.msk $0xffff, v52;
	v48 =	vadd.f32 v29, v62  }
0x143: {  	v51 =	vld.idx.msk [tilespmem:v15+s14+$0x0], $0xffff;
	v55 =	vor.u32 $0x7, v35;
	v47 =	vmul.f32 v47, v28;
	v40 =	vmul.f32 v60, v25  }
0x144: {  	v39 =	vmul.f32 v58, v39;
	v27 =	vor.u32 $0x6, v15;
	v52 =	vor.u32 $0xA, v35;
	v54 =	vld.idx.msk [tilespmem:v61+s14+$0x0], $0xffff;
	[tilespmem:v16+s15+$0x0] =	vst.idx.msk $0xffff, v48  }
0x145: {  	v50 =	vmul.f32 v50, v30;
	v40 =	vadd.f32 v40, v47;
	v48 =	vor.u32 $0x1, v35;
	v41 =	vld.idx.msk [tilespmem:v63+s14+$0x0], $0xffff  }
0x146: {  	v33 =	vor.u32 $0x9, v15;
	v28 =	vor.u32 $0x8, v35;
	v30 =	vor.u32 $0x2, v35;
	v42 =	vld.idx.msk [tilespmem:v46+s14+$0x0], $0xffff  }
0x147: {  	v60 =	vmul.f32 v44, v37;
	v46 =	vor.u32 $0x4, v35;
	v44 =	vld.idx.msk [tilespmem:v53+s14+$0x0], $0xffff;
	v50 =	vadd.f32 v50, v40  }
0x148: {  	v25 =	vmul.f32 v58, v22;
	v58 =	vmul.f32 v49, v31;
	v37 =	vor.u32 $0xB, v35;
	v47 =	vld.idx.msk [tilespmem:v55+s14+$0x0], $0xffff  }
0x149: {  	v31 =	vor.u32 $0x5, v11;
	v63 =	vmul.f32 v43, v32;
	v43 =	vadd.f32 v60, v50;
	v50 =	vld.idx.msk [tilespmem:v52+s14+$0x0], $0xffff  }
0x14a: {  	v29 =	vor.u32 $0x1, v16;
	v61 =	vmul.f32 v25, v51;
	v62 =	vmul.f32 v39, v54;
	v49 =	vld.idx.msk [tilespmem:v48+s14+$0x0], $0xffff  }
0x14b: {  	[tilespmem:v45+s15+$0x0] =	vst.idx.msk $0xffff, v59;
	v32 =	vor.u32 $0x2, v36;
	v36 =	vor.u32 $0xB, v11;
	v35 =	vor.u32 $0x2, v11;
	v48 =	vld.idx.msk [tilespmem:v57+s14+$0x0], $0xffff  }
0x14c: {  	s22 =	simm.s32 $0x70;
	s20 =	simm.s32 $0x4;
	s21 =	simm.s32 $0x100F8;
	v40 =	vadd.f32 v62, v61;
	v45 =	vadd.f32 v63, v58;
	v51 =	vld.idx.msk [tilespmem:v46+s14+$0x0], $0xffff;
	v46 =	vmul.f32 v56, v34  }
.LBB2_5:
0x14d: {  	s23 =	sadd.s32 $0xFFFFFFF0, s22;
	v52 =	vld [tilespmem:s21+$0xFFFFFFF0];
	s20 =	sadd.s32 $0x2, s20;
	v53 =	vor.u32 $0x8, v11;
	v42 =	vmul.f32 v42, v9;
	v54 =	vor.u32 $0x1, v14;
	[tilespmem:v38+s15+$0x0] =	vst.idx.msk $0xffff, v43;
	v38 =	vmovc v8  }
0x14e: {  	v41 =	vmul.f32 v41, v10;
	v47 =	vmul.f32 v47, v18;
	v8 =	vmovc v39;
	v43 =	vor.u32 s23, v3;
	p0 =	slt.u32 s20, $0x6  }
0x14f: {  	v44 =	vmul.f32 v44, v13;
	v49 =	vmul.f32 v49, v7;
	v11 =	vshll.u32 v43, $0x4;
	v39 =	vld [tilespmem:s21+$0x0]  }
0x150: {  	v48 =	vmul.f32 v48, v12;
	v55 =	vor.u32 $0x3, v11;
	v56 =	vor.u32 $0x6, v11  }
0x151: {  	v57 =	vor.u32 $0x9, v11;
	v34 =	vor.u32 $0x4, v11;
	v51 =	vmul.f32 v51, v38  }
0x152: {  	v45 =	vadd.f32 v46, v45;
	v44 =	vadd.f32 v48, v44;
	v58 =	vmul.f32 v52, v52  }
0x153: {  	v21 =	vmul.f32 v21, v6;
	v48 =	vmul.f32 v50, v17;
	v46 =	vld.idx.msk [tilespmem:v33+s14+$0x0], $0xffff;
	v33 =	vadd.f32 v51, v49  }
0x154: {  	v6 =	vmovc v9;
	v49 =	vmul.f32 $3.000000000e+00, v52;
	v50 =	vld.idx.msk [tilespmem:v11+s14+$0x0], $0xffff;
	v51 =	vsub.f32 $1.000000000e+00, v39;
	v9 =	vmul.f32 v58, v52  }
0x155: {  	v52 =	vsub.f32 $1.000000000e+00, v52;
	v58 =	vmul.f32 $3.000000000e+00, v58;
	v55 =	vld.idx.msk [tilespmem:v55+s14+$0x0], $0xffff;
	v33 =	vadd.f32 v47, v33  }
0x156: {  	v41 =	vadd.f32 v41, v44;
	v47 =	vld.idx.msk [tilespmem:v57+s14+$0x0], $0xffff;
	v57 =	vmul.f32 v39, v39;
	v59 =	vmul.f32 v51, v51  }
0x157: {  	v44 =	vmul.f32 v52, v52;
	v58 =	vmul.f32 v58, v52;
	v56 =	vld.idx.msk [tilespmem:v56+s14+$0x0], $0xffff;
	v33 =	vadd.f32 v48, v33  }
0x158: {  	v60 =	vor.u32 s22, v3;
	v41 =	vadd.f32 v42, v41;
	v48 =	vmul.f32 $3.000000000e+00, v57;
	v42 =	vld.idx.msk [tilespmem:v27+s14+$0x0], $0xffff  }
0x159: {  	v52 =	vmul.f32 v44, v52;
	v61 =	vmul.f32 v44, v49;
	v49 =	vshll.u32 v60, $0x4;
	[tilespmem:v54+s15+$0x0] =	vst.idx.msk $0xffff, v33  }
0x15a: {  	v44 =	vor.u32 $0x3, v49;
	v54 =	vshll.u32 v23, $0x3;
	[tilespmem:v29+s15+$0x0] =	vst.idx.msk $0xffff, v41;
	v29 =	vadd.f32 v21, v45;
	v37 =	vld.idx.msk [tilespmem:v37+s14+$0x0], $0xffff  }
0x15b: {  	v27 =	vor.u32 $0x6, v49;
	v23 =	vmovc v60;
	v41 =	vmul.f32 v52, v50;
	v45 =	vmul.f32 v61, v55;
	v21 =	vld.idx.msk [tilespmem:v36+s14+$0x0], $0xffff  }
0x15c: {  	v33 =	vor.u32 $0x9, v49;
	v50 =	vmul.f32 v26, v22;
	v36 =	vor.u32 $0xA, v11;
	[tilespmem:v32+s15+$0x0] =	vst.idx.msk $0xffff, v29;
	v30 =	vld.idx.msk [tilespmem:v30+s14+$0x0], $0xffff  }
0x15d: {  	v60 =	vadd.f32 v45, v41;
	v56 =	vmul.f32 v56, v58;
	v29 =	vmul.f32 v47, v9;
	v32 =	vld.idx.msk [tilespmem:v28+s14+$0x0], $0xffff  }
0x15e: {  	v45 =	vshll.u32 v43, $0x3;
	v43 =	vmul.f32 v20, v19;
	v19 =	vmovc v39;
	v28 =	vmul.f32 v42, v50;
	v42 =	vld.idx.msk [tilespmem:v24+s14+$0x0], $0xffff  }
0x15f: {  	v22 =	vmovc v51;
	v39 =	vor.u32 $0x1, v11;
	v41 =	vor.u32 $0x7, v11;
	v20 =	vmovc v57;
	v24 =	vadd.f32 v60, v56;
	v55 =	vld.idx.msk [tilespmem:v49+s14+$0x0], $0xffff  }
0x160: {  	v26 =	vmov v48;
	v28 =	vadd.f32 v40, v28;
	v40 =	vmul.f32 v46, v43;
	v51 =	vld.idx.msk [tilespmem:v44+s14+$0x0], $0xffff  }
0x161: {  	v46 =	vor.u32 $0x7, v15;
	v44 =	vadd.f32 v24, v29;
	v24 =	vor.u32 $0x5, v15;
	v35 =	vld.idx.msk [tilespmem:v35+s14+$0x0], $0xffff  }
0x162: {  	v29 =	vor.u32 $0x1, v45;
	v56 =	vld.idx.msk [tilespmem:v31+s14+$0x0], $0xffff;
	v31 =	vadd.f32 v28, v40;
	v40 =	vmul.f32 v30, v7;
	v7 =	vmovc v25  }
0x163: {  	v48 =	vor.u32 $0x1, v15;
	v28 =	vor.u32 $0x8, v15;
	v32 =	vmul.f32 v32, v18;
	[tilespmem:v45+s15+$0x0] =	vst.idx.msk $0xffff, v44;
	v53 =	vld.idx.msk [tilespmem:v53+s14+$0x0], $0xffff  }
0x164: {  	v47 =	vmul.f32 $3.000000000e+00, v19;
	v30 =	vor.u32 $0x2, v15;
	v41 =	vld.idx.msk [tilespmem:v41+s14+$0x0], $0xffff;
	[tilespmem:v54+s15+$0x0] =	vst.idx.msk $0xffff, v31;
	v31 =	vmul.f32 v42, v38  }
0x165: {  	v57 =	vor.u32 $0x4, v15;
	v60 =	vor.u32 $0xA, v15;
	v62 =	vmul.f32 v37, v17;
	v17 =	vmovc v43;
	v18 =	vmovc v50;
	v42 =	vld.idx.msk [tilespmem:v36+s14+$0x0], $0xffff  }
0x166: {  	v25 =	vmul.f32 v59, v22;
	v44 =	vld.idx.msk [tilespmem:v39+s14+$0x0], $0xffff;
	v39 =	vmul.f32 v59, v47;
	v31 =	vadd.f32 v31, v40  }
.Ltmp1:
0x167: {  	v37 =	vor.u32 $0xB, v15;
	v15 =	vmovc v49;
	v38 =	vor.u32 $0x2, v14;
	v50 =	vmul.f32 v35, v13;
	v13 =	vmovc v52;
	v47 =	vld.idx.msk [tilespmem:v46+s14+$0x0], $0xffff;
	(pc) =	sbr.rel @p0 .LBB2_5-.Ltmp1, $4  }
0x168: {  	v35 =	vmul.f32 v25, v55;
	v40 =	vmul.f32 v39, v51;
	v49 =	vld.idx.msk [tilespmem:v48+s14+$0x0], $0xffff;
	v43 =	vadd.f32 v32, v31  }
0x169: {  	v14 =	vmovc v54;
	v31 =	vor.u32 $0x5, v11;
	v32 =	vor.u32 $0x2, v16;
	v48 =	vld.idx.msk [tilespmem:v34+s14+$0x0], $0xffff;
	v34 =	vmul.f32 v56, v12;
	v12 =	vmovc v61  }
0x16a: {  	v36 =	vor.u32 $0xB, v11;
	v16 =	vmovc v45;
	v40 =	vadd.f32 v40, v35;
	v51 =	vld.idx.msk [tilespmem:v57+s14+$0x0], $0xffff;
	v43 =	vadd.f32 v62, v43  }
0x16b: {  	s22 =	sadd.s32 $0x20, s22;
	s21 =	sadd.s32 $0x20, s21;
	v46 =	vmul.f32 v53, v10;
	v10 =	vmovc v58;
	v35 =	vor.u32 $0x2, v11;
	v45 =	vadd.f32 v34, v50;
	v50 =	vld.idx.msk [tilespmem:v60+s14+$0x0], $0xffff  }
0x16c: {  	_ =	sdelay $0x3  }
0x16d: {  	v27 =	vld.idx.msk [tilespmem:v27+s14+$0x0], $0xffff;
	_ =	sdelay $0x1  }
0x16e: {  	v33 =	vld.idx.msk [tilespmem:v33+s14+$0x0], $0xffff  }
0x16f: {  	v22 =	vmul.f32 v26, v22;
	_ =	sdelay $0x1  }
0x170: {  	v19 =	vmul.f32 v20, v19;
	v60 =	vmul.f32 v27, v22  }
0x171: {  	v23 =	vshll.u32 v23, $0x3  }
0x172: {  	v62 =	vor.u32 $0x1, v15;
	v61 =	vmul.f32 v33, v19;
	v20 =	vadd.f32 v40, v60  }
0x173: {  	v63 =	vor.u32 $0x4, v15  }
0x174: {  	v20 =	vadd.f32 v20, v61  }
0x175: {  	v52 =	vor.u32 $0x7, v15  }
0x176: {  	v44 =	vmul.f32 v44, v13;
	v48 =	vmul.f32 v48, v12;
	[tilespmem:v23+s15+$0x0] =	vst.idx.msk $0xffff, v20  }
0x177: {  	v54 =	vor.u32 $0xA, v15;
	v27 =	vld.idx.msk [tilespmem:v62+s14+$0x0], $0xffff  }
0x178: {  	v41 =	vmul.f32 v41, v10;
	v44 =	vadd.f32 v48, v44;
	v33 =	vld.idx.msk [tilespmem:v63+s14+$0x0], $0xffff  }
0x179: {  	v53 =	vmul.f32 v49, v7;
	v34 =	vmul.f32 v51, v8  }
0x17a: {  	v42 =	vmul.f32 v42, v9;
	v41 =	vadd.f32 v41, v44;
	v26 =	vld.idx.msk [tilespmem:v52+s14+$0x0], $0xffff  }
0x17b: {  	v47 =	vmul.f32 v47, v18;
	v11 =	vor.u32 $0x8, v11;
	v20 =	vadd.f32 v34, v53  }
0x17c: {  	v55 =	vor.u32 $0x1, v14;
	v56 =	vmul.f32 v50, v17;
	v59 =	vadd.f32 v42, v41;
	v40 =	vld.idx.msk [tilespmem:v54+s14+$0x0], $0xffff  }
0x17d: {  	v20 =	vadd.f32 v47, v20;
	v27 =	vmul.f32 v27, v25;
	v33 =	vmul.f32 v33, v39  }
0x17e: {  	[tilespmem:v29+s15+$0x0] =	vst.idx.msk $0xffff, v59  }
0x17f: {  	v31 =	vld.idx.msk [tilespmem:v31+s14+$0x0], $0xffff;
	v20 =	vadd.f32 v56, v20;
	v57 =	vmul.f32 v26, v22;
	v58 =	vadd.f32 v33, v27  }
0x180: {  	v61 =	vor.u32 $0x1, v23;
	v11 =	vld.idx.msk [tilespmem:v11+s14+$0x0], $0xffff  }
0x181: {  	v62 =	vor.u32 $0x2, v15;
	[tilespmem:v55+s15+$0x0] =	vst.idx.msk $0xffff, v20;
	v40 =	vmul.f32 v40, v19;
	v20 =	vadd.f32 v57, v58  }
0x182: {  	v41 =	vor.u32 $0x5, v15;
	v30 =	vld.idx.msk [tilespmem:v30+s14+$0x0], $0xffff  }
0x183: {  	v63 =	vld.idx.msk [tilespmem:v28+s14+$0x0], $0xffff;
	v20 =	vadd.f32 v40, v20  }
0x184: {  	v42 =	vor.u32 $0x8, v15;
	v24 =	vld.idx.msk [tilespmem:v24+s14+$0x0], $0xffff  }
0x185: {  	v27 =	vld.idx.msk [tilespmem:v35+s14+$0x0], $0xffff;
	[tilespmem:v61+s15+$0x0] =	vst.idx.msk $0xffff, v20  }
0x186: {  	v44 =	vor.u32 $0xB, v15;
	v20 =	vld.idx.msk [tilespmem:v62+s14+$0x0], $0xffff  }
0x187: {  	v28 =	vld.idx.msk [tilespmem:v41+s14+$0x0], $0xffff  }
0x188: {  	v6 =	vmul.f32 v21, v6;
	v47 =	vadd.f32 v46, v45;
	v60 =	vld.idx.msk [tilespmem:v37+s14+$0x0], $0xffff  }
0x189: {  	v54 =	vmul.f32 v31, v12;
	v59 =	vmul.f32 v11, v10;
	v49 =	vld.idx.msk [tilespmem:v42+s14+$0x0], $0xffff  }
0x18a: {  	v50 =	vld.idx.msk [tilespmem:v36+s14+$0x0], $0xffff;
	v6 =	vadd.f32 v6, v47;
	v7 =	vmul.f32 v30, v7;
	v48 =	vmul.f32 v24, v8  }
0x18b: {  	v56 =	vor.u32 $0x2, v14;
	v51 =	vmul.f32 v63, v18;
	v53 =	vmul.f32 v27, v13;
	v55 =	vld.idx.msk [tilespmem:v44+s14+$0x0], $0xffff  }
0x18c: {  	v7 =	vadd.f32 v48, v7;
	v57 =	vmul.f32 v20, v25;
	v58 =	vmul.f32 v28, v39  }
0x18d: {  	v52 =	vmul.f32 v60, v17;
	v60 =	vor.u32 $0x2, v16;
	v8 =	vadd.f32 v54, v53  }
0x18e: {  	v7 =	vadd.f32 v51, v7;
	v61 =	vmul.f32 v49, v22;
	v15 =	vadd.f32 v58, v57  }
0x18f: {  	[tilespmem:v38+s15+$0x0] =	vst.idx.msk $0xffff, v43;
	v63 =	vor.u32 $0x2, v23;
	v62 =	vmul.f32 v50, v9;
	v8 =	vadd.f32 v59, v8  }
0x190: {  	v7 =	vadd.f32 v52, v7;
	v13 =	vmul.f32 v55, v19;
	v12 =	vadd.f32 v61, v15  }
0x191: {  	[tilespmem:v32+s15+$0x0] =	vst.idx.msk $0xffff, v6;
	v6 =	vadd.f32 v62, v8  }
0x192: {  	[tilespmem:v56+s15+$0x0] =	vst.idx.msk $0xffff, v7;
	v7 =	vadd.f32 v13, v12  }
0x193: {  	[tilespmem:v60+s15+$0x0] =	vst.idx.msk $0xffff, v6  }
0x194: {  	s19 =	sadd.s32 s7, s19;
	[tilespmem:v63+s15+$0x0] =	vst.idx.msk $0xffff, v7  }
0x195: {  	[hbm4b:s19+s4] =	stream.linear.scatter [tilespmem:s15], [sflag:$0x1], $0x400, $0x38;
	[tilespmem:$0x10D88] =	vst v63  }
0x196: {  	s17 =	sadd.s32 $0x1, s17;
	_ =	swait.ge [sflag:s10], $0x400  }
0x197: {  	p0 =	sne.s32 s17, $0x200;
	[sflag:s10] =	ssyncset.done $0x0  }
.Ltmp2:
0x198: {  	s18 =	sadd.s32 s3, s18;
	[sflag:s10] =	ssyncadd.s32 $0xFFFFFC00;
	(pc) =	sbr.rel @p0 .LBB2_2-.Ltmp2, $4  }
0x199: {  	[hbm4b:s18+s4] =	stream.linear.scatter [tilespmem:s13], [sflag:$0x1], $0x80, $0x38;
	[tilespmem:$0x10D88] =	vst v63  }
0x19a: {  	_ =	swait.ge [sflag:s10], $0x80  }
0x19b: {  	[sflag:s10] =	ssyncset.done $0x0  }
0x19c: {  	[sflag:s10] =	ssyncadd.s32 $0xFFFFFF80  }
0x19d: {  	s16 =	sadd.s32 $0x1, s16  }
0x19e: {  	p0 =	sne.s32 s16, s9  }
.Ltmp3:
0x19f: {  	_ = 	snop;
	(pc) =	sbr.rel @p0 .LBB2_1-.Ltmp3, $1  }
0x1a0: {  	_ =	sdelay $0x3  }
0x1a1: {  	_ =	sfence.sel $0x180000  }
0x1a2: {  	[bflag:$0x0] =	sbarrier.arrive $0xFFFF  }
0x1a3: {  	p0 =	sne.s32 s5, $0x0;
	_ =	strace $0x90000047  }
0x1a4: {  	s0 =	sadd.s32 @!p0 $0x100000, s0;
	[bflag:$0x2] =	sbarrier.arrive $0xFFFF  }
0x1a5: {  	[sflag:s0] =	ssyncadd.tile.s32 @!p0 $0x1;
	_ =	shalt  }
.Lfunc_end2:
_tile_overlayer_lowered:
.L_overlay_start_2:
0x1a6: {  	(tag) =	ssettag $0x2  }
0x1a7: {  	s0 =	rddreg [dreg:$0x0];
	s2 =	stileid.u32  }
0x1a8: {  	s1 =	rddreg [dreg:$0x1];
	p0 =	sne.s32 s2, $0x0  }
0x1a9: {  	s3 =	rddreg [dreg:$0x2];
	[bflag:$0x3] =	sbarrier.arrive $0xFFFF;
	s2 =	simm.s32 @!p0 $0x1C02  }
0x1aa: {  	[timem:s3], [sflag:s2] =	dma.local @!p0 [hbm:s0], s1  }
0x1ab: {  	s0 =	simm.s32 @!p0 $0x2  }
0x1ac: {  	_ =	swait.ge @!p0 [sflag:s0], s1  }
0x1ad: {  	s1 =	ssub.s32 @!p0 $0x0, s1;
	[sflag:s0] =	ssyncset.done @!p0 $0x0  }
0x1ae: {  	[sflag:s0] =	ssyncadd.s32 @!p0 s1  }
0x1af: {  	[bflag:$0x3] =	sbarrier.arrive $0xFFFF  }
0x1b0: {  	_ =	shalt  }

</sc_bundles>
